<compile_context>
chip_gen: v7x
topology: tpu7x:2x2x1
jax: 0.10.2.dev20260603
libtpu: 0.0.44.dev20260713+nightly
codegen_flags: <defaults>
</compile_context>

<pallas_src>
import functools

import jax
import jax.numpy as jnp
from jax import lax
from jax.experimental import pallas as pl
from jax.experimental.pallas import tpu as pltpu
from jax.experimental.pallas import tpu_sc as plsc

_INFO = plsc.get_sparse_core_info()
_NC, _NS = _INFO.num_cores, _INFO.num_subcores
_NW = _NC * _NS
_N_CHUNKS = 25


def _make_edges_copy(n_edges, d_edge, dtype):
    rows_per_w = n_edges // _NW
    chunk = rows_per_w // _N_CHUNKS
    mesh = plsc.VectorSubcoreMesh(core_axis_name="c", subcore_axis_name="s")

    @functools.partial(
        pl.kernel,
        mesh=mesh,
        out_type=jax.ShapeDtypeStruct((n_edges, d_edge), dtype),
        scratch_types=[
            pltpu.VMEM((chunk, d_edge), dtype),
            pltpu.VMEM((chunk, d_edge), dtype),
            pltpu.SemaphoreType.DMA,
            pltpu.SemaphoreType.DMA,
            pltpu.SemaphoreType.DMA,
            pltpu.SemaphoreType.DMA,
        ],
    )
    def k(e_hbm, out_hbm, b0, b1, si0, si1, so0, so1):
        wid = lax.axis_index("s") * _NC + lax.axis_index("c")
        base = wid * rows_per_w
        bufs = (b0, b1)
        sin = (si0, si1)
        sout = (so0, so1)

        def src(c):
            return e_hbm.at[pl.ds(base + c * chunk, chunk)]

        def dst(c):
            return out_hbm.at[pl.ds(base + c * chunk, chunk)]

        ins = {}
        outs = {}
        ins[0] = pltpu.async_copy(src(0), bufs[0], sin[0])
        for c in range(_N_CHUNKS):
            b = c % 2
            ins[c].wait()
            if c + 1 < _N_CHUNKS:
                nb = (c + 1) % 2
                if c >= 1:
                    outs[c - 1].wait()
                ins[c + 1] = pltpu.async_copy(src(c + 1), bufs[nb], sin[nb])
            outs[c] = pltpu.async_copy(bufs[b], dst(c), sout[b])
        outs[_N_CHUNKS - 2].wait()
        outs[_N_CHUNKS - 1].wait()

    return k


def kernel(nodes, edge_index, edges=None, u=None, batch=None):
    if batch is None:
        batch = jnp.zeros((nodes.shape[0],), dtype=jnp.int32)
    n_edges, d_edge = edges.shape
    edges_o = _make_edges_copy(n_edges, d_edge, edges.dtype)(edges)
    return (nodes, edge_index, edges_o, u, batch)

# --- scband reference (transcript-rebuilt; emitter-appended) ---
"""Pipeline reference for scband-graph-network-16698832847493 (READ-ONLY COPY).

The authoritative reference and input builder live on the scoring server;
editing this copy changes nothing except your own understanding.
"""

import jax, jax.numpy as jnp
import numpy as np

N_NODES = 10000
N_EDGES = 320000
D_FEAT = 128
D_EDGE = 16
NUM_LAYERS = 1


def setup_inputs(seed: int = 0) -> dict:
    key = jax.random.key(seed)
    k1, k2, k3, k4 = jax.random.split(key, 4)
    nodes = jax.random.normal(k1, (N_NODES, D_FEAT), dtype=jnp.float32)
    edge_index = jax.random.randint(k2, (2, N_EDGES), 0, N_NODES, dtype=jnp.int32)
    edges = jax.random.normal(k3, (N_EDGES, D_EDGE), dtype=jnp.float32)
    u = jax.random.normal(k4, (1, D_FEAT), dtype=jnp.float32)
    batch = jnp.zeros((N_NODES,), dtype=jnp.int32)
    return {"nodes": nodes, "edge_index": edge_index, "edges": edges, "u": u, "batch": batch}


def reference(nodes, edge_index, edges=None, u=None, batch=None):
    # Faithful translation of GraphNetwork.forward with edge_model=node_model=global_model=None.
    if batch is None:
        N_v = nodes.shape[0]
        batch = jnp.zeros((N_v,), dtype=jnp.int32)
    for _ in range(NUM_LAYERS):
        # edge_model is None -> edges unchanged
        # node_model is None -> nodes unchanged
        # global_model is None -> u unchanged
        pass
    return (nodes, edge_index, edges, u, batch)

if __name__ == "__main__":
    import jax
    _d = setup_inputs()
    print(jax.jit(kernel)(*tuple(_d.values())))

</pallas_src>

<mosaic_0001>
#map = affine_map<(d0, d1) -> (0, 0)>
module attributes {stable_mosaic.version = 14 : i64} {
  func.func @k(%arg0: i32, %arg1: i32, %arg2: memref<320000x16xf32, #tpu.memory_space<hbm>>, %arg3: memref<320000x16xf32, #tpu.memory_space<hbm>>, %arg4: memref<400x16xf32, #tpu.memory_space<vmem>>, %arg5: memref<400x16xf32, #tpu.memory_space<vmem>>, %arg6: memref<!tpu.dma_semaphore, #tpu.memory_space<semaphore_mem>>, %arg7: memref<!tpu.dma_semaphore, #tpu.memory_space<semaphore_mem>>, %arg8: memref<!tpu.dma_semaphore, #tpu.memory_space<semaphore_mem>>, %arg9: memref<!tpu.dma_semaphore, #tpu.memory_space<semaphore_mem>>) attributes {dimension_semantics = [#tpu.dimension_semantics<core_parallel>, #tpu.dimension_semantics<subcore_parallel>], iteration_bounds = array<i64: 2, 16>, scalar_prefetch = 0 : i64, scratch_operands = 6 : i64, tpu.core_type = #tpu.core_type<sc_vector_subcore>, window_params = [{transform_indices = #map}, {transform_indices = #map}]} {
    %mul3A = arith.constant 2 : i32
    %mul3A_0 = arith.muli %arg1, %mul3A : i32
    %add3A = arith.addi %mul3A_0, %arg0 : i32
    %mul3A_1 = arith.constant 10000 : i32
    %mul3A_2 = arith.muli %add3A, %mul3A_1 : i32
    %add3A_3 = arith.constant 0 : i32
    %add3A_4 = arith.addi %mul3A_2, %add3A_3 : i32
    %dma_start3A = arith.constant 0 : i32
    %dma_start3A_5 = tpu.memref_slice %arg2[%add3A_4, %dma_start3A] : memref<320000x16xf32, #tpu.memory_space<hbm>> -> memref<400x16xf32, #tpu.memory_space<hbm>>
    %dma_start3A_6 = arith.constant 0 : i32
    %dma_start3A_7 = tpu.memref_slice %arg2[%add3A_4, %dma_start3A_6] : memref<320000x16xf32, #tpu.memory_space<hbm>> -> memref<400x16xf32, #tpu.memory_space<hbm>>
    tpu.enqueue_dma source(%dma_start3A_7 : memref<400x16xf32, #tpu.memory_space<hbm>>) target(%arg4 : memref<400x16xf32, #tpu.memory_space<vmem>>) target_semaphore(%arg6 : memref<!tpu.dma_semaphore, #tpu.memory_space<semaphore_mem>>)
    %dma_wait3A = arith.constant 0 : i32
    %dma_wait3A_8 = tpu.memref_slice %arg2[%add3A_4, %dma_wait3A] : memref<320000x16xf32, #tpu.memory_space<hbm>> -> memref<400x16xf32, #tpu.memory_space<hbm>>
    %dma_wait3A_9 = arith.constant 0 : i32
    %dma_wait3A_10 = tpu.memref_slice %arg2[%add3A_4, %dma_wait3A_9] : memref<320000x16xf32, #tpu.memory_space<hbm>> -> memref<400x16xf32, #tpu.memory_space<hbm>>
    tpu.wait_dma2 semaphore(%arg6 : memref<!tpu.dma_semaphore, #tpu.memory_space<semaphore_mem>>) src(%dma_wait3A_10 : memref<400x16xf32, #tpu.memory_space<hbm>>) dst(%arg4 : memref<400x16xf32, #tpu.memory_space<vmem>>)
    %add3A_11 = arith.constant 400 : i32
    %add3A_12 = arith.addi %mul3A_2, %add3A_11 : i32
    %dma_start3A_13 = arith.constant 0 : i32
    %dma_start3A_14 = tpu.memref_slice %arg2[%add3A_12, %dma_start3A_13] : memref<320000x16xf32, #tpu.memory_space<hbm>> -> memref<400x16xf32, #tpu.memory_space<hbm>>
    %dma_start3A_15 = arith.constant 0 : i32
    %dma_start3A_16 = tpu.memref_slice %arg2[%add3A_12, %dma_start3A_15] : memref<320000x16xf32, #tpu.memory_space<hbm>> -> memref<400x16xf32, #tpu.memory_space<hbm>>
    tpu.enqueue_dma source(%dma_start3A_16 : memref<400x16xf32, #tpu.memory_space<hbm>>) target(%arg5 : memref<400x16xf32, #tpu.memory_space<vmem>>) target_semaphore(%arg7 : memref<!tpu.dma_semaphore, #tpu.memory_space<semaphore_mem>>)
    %add3A_17 = arith.constant 0 : i32
    %add3A_18 = arith.addi %mul3A_2, %add3A_17 : i32
    %dma_start3A_19 = arith.constant 0 : i32
    %dma_start3A_20 = tpu.memref_slice %arg3[%add3A_18, %dma_start3A_19] : memref<320000x16xf32, #tpu.memory_space<hbm>> -> memref<400x16xf32, #tpu.memory_space<hbm>>
    %dma_start3A_21 = arith.constant 0 : i32
    %dma_start3A_22 = tpu.memref_slice %arg3[%add3A_18, %dma_start3A_21] : memref<320000x16xf32, #tpu.memory_space<hbm>> -> memref<400x16xf32, #tpu.memory_space<hbm>>
    tpu.enqueue_dma source(%arg4 : memref<400x16xf32, #tpu.memory_space<vmem>>) target(%dma_start3A_22 : memref<400x16xf32, #tpu.memory_space<hbm>>) target_semaphore(%arg8 : memref<!tpu.dma_semaphore, #tpu.memory_space<semaphore_mem>>)
    %dma_wait3A_23 = arith.constant 0 : i32
    %dma_wait3A_24 = tpu.memref_slice %arg2[%add3A_12, %dma_wait3A_23] : memref<320000x16xf32, #tpu.memory_space<hbm>> -> memref<400x16xf32, #tpu.memory_space<hbm>>
    %dma_wait3A_25 = arith.constant 0 : i32
    %dma_wait3A_26 = tpu.memref_slice %arg2[%add3A_12, %dma_wait3A_25] : memref<320000x16xf32, #tpu.memory_space<hbm>> -> memref<400x16xf32, #tpu.memory_space<hbm>>
    tpu.wait_dma2 semaphore(%arg7 : memref<!tpu.dma_semaphore, #tpu.memory_space<semaphore_mem>>) src(%dma_wait3A_26 : memref<400x16xf32, #tpu.memory_space<hbm>>) dst(%arg5 : memref<400x16xf32, #tpu.memory_space<vmem>>)
    %dma_wait3A_27 = arith.constant 0 : i32
    %dma_wait3A_28 = tpu.memref_slice %arg3[%add3A_18, %dma_wait3A_27] : memref<320000x16xf32, #tpu.memory_space<hbm>> -> memref<400x16xf32, #tpu.memory_space<hbm>>
    %dma_wait3A_29 = arith.constant 0 : i32
    %dma_wait3A_30 = tpu.memref_slice %arg3[%add3A_18, %dma_wait3A_29] : memref<320000x16xf32, #tpu.memory_space<hbm>> -> memref<400x16xf32, #tpu.memory_space<hbm>>
    tpu.wait_dma2 semaphore(%arg8 : memref<!tpu.dma_semaphore, #tpu.memory_space<semaphore_mem>>) src(%arg4 : memref<400x16xf32, #tpu.memory_space<vmem>>) dst(%dma_wait3A_30 : memref<400x16xf32, #tpu.memory_space<hbm>>)
    %add3A_31 = arith.constant 800 : i32
    %add3A_32 = arith.addi %mul3A_2, %add3A_31 : i32
    %dma_start3A_33 = arith.constant 0 : i32
    %dma_start3A_34 = tpu.memref_slice %arg2[%add3A_32, %dma_start3A_33] : memref<320000x16xf32, #tpu.memory_space<hbm>> -> memref<400x16xf32, #tpu.memory_space<hbm>>
    %dma_start3A_35 = arith.constant 0 : i32
    %dma_start3A_36 = tpu.memref_slice %arg2[%add3A_32, %dma_start3A_35] : memref<320000x16xf32, #tpu.memory_space<hbm>> -> memref<400x16xf32, #tpu.memory_space<hbm>>
    tpu.enqueue_dma source(%dma_start3A_36 : memref<400x16xf32, #tpu.memory_space<hbm>>) target(%arg4 : memref<400x16xf32, #tpu.memory_space<vmem>>) target_semaphore(%arg6 : memref<!tpu.dma_semaphore, #tpu.memory_space<semaphore_mem>>)
    %add3A_37 = arith.constant 400 : i32
    %add3A_38 = arith.addi %mul3A_2, %add3A_37 : i32
    %dma_start3A_39 = arith.constant 0 : i32
    %dma_start3A_40 = tpu.memref_slice %arg3[%add3A_38, %dma_start3A_39] : memref<320000x16xf32, #tpu.memory_space<hbm>> -> memref<400x16xf32, #tpu.memory_space<hbm>>
    %dma_start3A_41 = arith.constant 0 : i32
    %dma_start3A_42 = tpu.memref_slice %arg3[%add3A_38, %dma_start3A_41] : memref<320000x16xf32, #tpu.memory_space<hbm>> -> memref<400x16xf32, #tpu.memory_space<hbm>>
    tpu.enqueue_dma source(%arg5 : memref<400x16xf32, #tpu.memory_space<vmem>>) target(%dma_start3A_42 : memref<400x16xf32, #tpu.memory_space<hbm>>) target_semaphore(%arg9 : memref<!tpu.dma_semaphore, #tpu.memory_space<semaphore_mem>>)
    %dma_wait3A_43 = arith.constant 0 : i32
    %dma_wait3A_44 = tpu.memref_slice %arg2[%add3A_32, %dma_wait3A_43] : memref<320000x16xf32, #tpu.memory_space<hbm>> -> memref<400x16xf32, #tpu.memory_space<hbm>>
    %dma_wait3A_45 = arith.constant 0 : i32
    %dma_wait3A_46 = tpu.memref_slice %arg2[%add3A_32, %dma_wait3A_45] : memref<320000x16xf32, #tpu.memory_space<hbm>> -> memref<400x16xf32, #tpu.memory_space<hbm>>
    tpu.wait_dma2 semaphore(%arg6 : memref<!tpu.dma_semaphore, #tpu.memory_space<semaphore_mem>>) src(%dma_wait3A_46 : memref<400x16xf32, #tpu.memory_space<hbm>>) dst(%arg4 : memref<400x16xf32, #tpu.memory_space<vmem>>)
    %dma_wait3A_47 = arith.constant 0 : i32
    %dma_wait3A_48 = tpu.memref_slice %arg3[%add3A_38, %dma_wait3A_47] : memref<320000x16xf32, #tpu.memory_space<hbm>> -> memref<400x16xf32, #tpu.memory_space<hbm>>
    %dma_wait3A_49 = arith.constant 0 : i32
    %dma_wait3A_50 = tpu.memref_slice %arg3[%add3A_38, %dma_wait3A_49] : memref<320000x16xf32, #tpu.memory_space<hbm>> -> memref<400x16xf32, #tpu.memory_space<hbm>>
    tpu.wait_dma2 semaphore(%arg9 : memref<!tpu.dma_semaphore, #tpu.memory_space<semaphore_mem>>) src(%arg5 : memref<400x16xf32, #tpu.memory_space<vmem>>) dst(%dma_wait3A_50 : memref<400x16xf32, #tpu.memory_space<hbm>>)
    %add3A_51 = arith.constant 1200 : i32
    %add3A_52 = arith.addi %mul3A_2, %add3A_51 : i32
    %dma_start3A_53 = arith.constant 0 : i32
    %dma_start3A_54 = tpu.memref_slice %arg2[%add3A_52, %dma_start3A_53] : memref<320000x16xf32, #tpu.memory_space<hbm>> -> memref<400x16xf32, #tpu.memory_space<hbm>>
    %dma_start3A_55 = arith.constant 0 : i32
    %dma_start3A_56 = tpu.memref_slice %arg2[%add3A_52, %dma_start3A_55] : memref<320000x16xf32, #tpu.memory_space<hbm>> -> memref<400x16xf32, #tpu.memory_space<hbm>>
    tpu.enqueue_dma source(%dma_start3A_56 : memref<400x16xf32, #tpu.memory_space<hbm>>) target(%arg5 : memref<400x16xf32, #tpu.memory_space<vmem>>) target_semaphore(%arg7 : memref<!tpu.dma_semaphore, #tpu.memory_space<semaphore_mem>>)
    %add3A_57 = arith.constant 800 : i32
    %add3A_58 = arith.addi %mul3A_2, %add3A_57 : i32
    %dma_start3A_59 = arith.constant 0 : i32
    %dma_start3A_60 = tpu.memref_slice %arg3[%add3A_58, %dma_start3A_59] : memref<320000x16xf32, #tpu.memory_space<hbm>> -> memref<400x16xf32, #tpu.memory_space<hbm>>
    %dma_start3A_61 = arith.constant 0 : i32
    %dma_start3A_62 = tpu.memref_slice %arg3[%add3A_58, %dma_start3A_61] : memref<320000x16xf32, #tpu.memory_space<hbm>> -> memref<400x16xf32, #tpu.memory_space<hbm>>
    tpu.enqueue_dma source(%arg4 : memref<400x16xf32, #tpu.memory_space<vmem>>) target(%dma_start3A_62 : memref<400x16xf32, #tpu.memory_space<hbm>>) target_semaphore(%arg8 : memref<!tpu.dma_semaphore, #tpu.memory_space<semaphore_mem>>)
    %dma_wait3A_63 = arith.constant 0 : i32
    %dma_wait3A_64 = tpu.memref_slice %arg2[%add3A_52, %dma_wait3A_63] : memref<320000x16xf32, #tpu.memory_space<hbm>> -> memref<400x16xf32, #tpu.memory_space<hbm>>
    %dma_wait3A_65 = arith.constant 0 : i32
    %dma_wait3A_66 = tpu.memref_slice %arg2[%add3A_52, %dma_wait3A_65] : memref<320000x16xf32, #tpu.memory_space<hbm>> -> memref<400x16xf32, #tpu.memory_space<hbm>>
    tpu.wait_dma2 semaphore(%arg7 : memref<!tpu.dma_semaphore, #tpu.memory_space<semaphore_mem>>) src(%dma_wait3A_66 : memref<400x16xf32, #tpu.memory_space<hbm>>) dst(%arg5 : memref<400x16xf32, #tpu.memory_space<vmem>>)
    %dma_wait3A_67 = arith.constant 0 : i32
    %dma_wait3A_68 = tpu.memref_slice %arg3[%add3A_58, %dma_wait3A_67] : memref<320000x16xf32, #tpu.memory_space<hbm>> -> memref<400x16xf32, #tpu.memory_space<hbm>>
    %dma_wait3A_69 = arith.constant 0 : i32
    %dma_wait3A_70 = tpu.memref_slice %arg3[%add3A_58, %dma_wait3A_69] : memref<320000x16xf32, #tpu.memory_space<hbm>> -> memref<400x16xf32, #tpu.memory_space<hbm>>
    tpu.wait_dma2 semaphore(%arg8 : memref<!tpu.dma_semaphore, #tpu.memory_space<semaphore_mem>>) src(%arg4 : memref<400x16xf32, #tpu.memory_space<vmem>>) dst(%dma_wait3A_70 : memref<400x16xf32, #tpu.memory_space<hbm>>)
    %add3A_71 = arith.constant 1600 : i32
    %add3A_72 = arith.addi %mul3A_2, %add3A_71 : i32
    %dma_start3A_73 = arith.constant 0 : i32
    %dma_start3A_74 = tpu.memref_slice %arg2[%add3A_72, %dma_start3A_73] : memref<320000x16xf32, #tpu.memory_space<hbm>> -> memref<400x16xf32, #tpu.memory_space<hbm>>
    %dma_start3A_75 = arith.constant 0 : i32
    %dma_start3A_76 = tpu.memref_slice %arg2[%add3A_72, %dma_start3A_75] : memref<320000x16xf32, #tpu.memory_space<hbm>> -> memref<400x16xf32, #tpu.memory_space<hbm>>
    tpu.enqueue_dma source(%dma_start3A_76 : memref<400x16xf32, #tpu.memory_space<hbm>>) target(%arg4 : memref<400x16xf32, #tpu.memory_space<vmem>>) target_semaphore(%arg6 : memref<!tpu.dma_semaphore, #tpu.memory_space<semaphore_mem>>)
    %add3A_77 = arith.constant 1200 : i32
    %add3A_78 = arith.addi %mul3A_2, %add3A_77 : i32
    %dma_start3A_79 = arith.constant 0 : i32
    %dma_start3A_80 = tpu.memref_slice %arg3[%add3A_78, %dma_start3A_79] : memref<320000x16xf32, #tpu.memory_space<hbm>> -> memref<400x16xf32, #tpu.memory_space<hbm>>
    %dma_start3A_81 = arith.constant 0 : i32
    %dma_start3A_82 = tpu.memref_slice %arg3[%add3A_78, %dma_start3A_81] : memref<320000x16xf32, #tpu.memory_space<hbm>> -> memref<400x16xf32, #tpu.memory_space<hbm>>
    tpu.enqueue_dma source(%arg5 : memref<400x16xf32, #tpu.memory_space<vmem>>) target(%dma_start3A_82 : memref<400x16xf32, #tpu.memory_space<hbm>>) target_semaphore(%arg9 : memref<!tpu.dma_semaphore, #tpu.memory_space<semaphore_mem>>)
    %dma_wait3A_83 = arith.constant 0 : i32
    %dma_wait3A_84 = tpu.memref_slice %arg2[%add3A_72, %dma_wait3A_83] : memref<320000x16xf32, #tpu.memory_space<hbm>> -> memref<400x16xf32, #tpu.memory_space<hbm>>
    %dma_wait3A_85 = arith.constant 0 : i32
    %dma_wait3A_86 = tpu.memref_slice %arg2[%add3A_72, %dma_wait3A_85] : memref<320000x16xf32, #tpu.memory_space<hbm>> -> memref<400x16xf32, #tpu.memory_space<hbm>>
    tpu.wait_dma2 semaphore(%arg6 : memref<!tpu.dma_semaphore, #tpu.memory_space<semaphore_mem>>) src(%dma_wait3A_86 : memref<400x16xf32, #tpu.memory_space<hbm>>) dst(%arg4 : memref<400x16xf32, #tpu.memory_space<vmem>>)
    %dma_wait3A_87 = arith.constant 0 : i32
    %dma_wait3A_88 = tpu.memref_slice %arg3[%add3A_78, %dma_wait3A_87] : memref<320000x16xf32, #tpu.memory_space<hbm>> -> memref<400x16xf32, #tpu.memory_space<hbm>>
    %dma_wait3A_89 = arith.constant 0 : i32
    %dma_wait3A_90 = tpu.memref_slice %arg3[%add3A_78, %dma_wait3A_89] : memref<320000x16xf32, #tpu.memory_space<hbm>> -> memref<400x16xf32, #tpu.memory_space<hbm>>
    tpu.wait_dma2 semaphore(%arg9 : memref<!tpu.dma_semaphore, #tpu.memory_space<semaphore_mem>>) src(%arg5 : memref<400x16xf32, #tpu.memory_space<vmem>>) dst(%dma_wait3A_90 : memref<400x16xf32, #tpu.memory_space<hbm>>)
    %add3A_91 = arith.constant 2000 : i32
    %add3A_92 = arith.addi %mul3A_2, %add3A_91 : i32
    %dma_start3A_93 = arith.constant 0 : i32
    %dma_start3A_94 = tpu.memref_slice %arg2[%add3A_92, %dma_start3A_93] : memref<320000x16xf32, #tpu.memory_space<hbm>> -> memref<400x16xf32, #tpu.memory_space<hbm>>
    %dma_start3A_95 = arith.constant 0 : i32
    %dma_start3A_96 = tpu.memref_slice %arg2[%add3A_92, %dma_start3A_95] : memref<320000x16xf32, #tpu.memory_space<hbm>> -> memref<400x16xf32, #tpu.memory_space<hbm>>
    tpu.enqueue_dma source(%dma_start3A_96 : memref<400x16xf32, #tpu.memory_space<hbm>>) target(%arg5 : memref<400x16xf32, #tpu.memory_space<vmem>>) target_semaphore(%arg7 : memref<!tpu.dma_semaphore, #tpu.memory_space<semaphore_mem>>)
    %add3A_97 = arith.constant 1600 : i32
    %add3A_98 = arith.addi %mul3A_2, %add3A_97 : i32
    %dma_start3A_99 = arith.constant 0 : i32
    %dma_start3A_100 = tpu.memref_slice %arg3[%add3A_98, %dma_start3A_99] : memref<320000x16xf32, #tpu.memory_space<hbm>> -> memref<400x16xf32, #tpu.memory_space<hbm>>
    %dma_start3A_101 = arith.constant 0 : i32
    %dma_start3A_102 = tpu.memref_slice %arg3[%add3A_98, %dma_start3A_101] : memref<320000x16xf32, #tpu.memory_space<hbm>> -> memref<400x16xf32, #tpu.memory_space<hbm>>
    tpu.enqueue_dma source(%arg4 : memref<400x16xf32, #tpu.memory_space<vmem>>) target(%dma_start3A_102 : memref<400x16xf32, #tpu.memory_space<hbm>>) target_semaphore(%arg8 : memref<!tpu.dma_semaphore, #tpu.memory_space<semaphore_mem>>)
    %dma_wait3A_103 = arith.constant 0 : i32
    %dma_wait3A_104 = tpu.memref_slice %arg2[%add3A_92, %dma_wait3A_103] : memref<320000x16xf32, #tpu.memory_space<hbm>> -> memref<400x16xf32, #tpu.memory_space<hbm>>
    %dma_wait3A_105 = arith.constant 0 : i32
    %dma_wait3A_106 = tpu.memref_slice %arg2[%add3A_92, %dma_wait3A_105] : memref<320000x16xf32, #tpu.memory_space<hbm>> -> memref<400x16xf32, #tpu.memory_space<hbm>>
    tpu.wait_dma2 semaphore(%arg7 : memref<!tpu.dma_semaphore, #tpu.memory_space<semaphore_mem>>) src(%dma_wait3A_106 : memref<400x16xf32, #tpu.memory_space<hbm>>) dst(%arg5 : memref<400x16xf32, #tpu.memory_space<vmem>>)
    %dma_wait3A_107 = arith.constant 0 : i32
    %dma_wait3A_108 = tpu.memref_slice %arg3[%add3A_98, %dma_wait3A_107] : memref<320000x16xf32, #tpu.memory_space<hbm>> -> memref<400x16xf32, #tpu.memory_space<hbm>>
    %dma_wait3A_109 = arith.constant 0 : i32
    %dma_wait3A_110 = tpu.memref_slice %arg3[%add3A_98, %dma_wait3A_109] : memref<320000x16xf32, #tpu.memory_space<hbm>> -> memref<400x16xf32, #tpu.memory_space<hbm>>
    tpu.wait_dma2 semaphore(%arg8 : memref<!tpu.dma_semaphore, #tpu.memory_space<semaphore_mem>>) src(%arg4 : memref<400x16xf32, #tpu.memory_space<vmem>>) dst(%dma_wait3A_110 : memref<400x16xf32, #tpu.memory_space<hbm>>)
    %add3A_111 = arith.constant 2400 : i32
    %add3A_112 = arith.addi %mul3A_2, %add3A_111 : i32
    %dma_start3A_113 = arith.constant 0 : i32
    %dma_start3A_114 = tpu.memref_slice %arg2[%add3A_112, %dma_start3A_113] : memref<320000x16xf32, #tpu.memory_space<hbm>> -> memref<400x16xf32, #tpu.memory_space<hbm>>
    %dma_start3A_115 = arith.constant 0 : i32
    %dma_start3A_116 = tpu.memref_slice %arg2[%add3A_112, %dma_start3A_115] : memref<320000x16xf32, #tpu.memory_space<hbm>> -> memref<400x16xf32, #tpu.memory_space<hbm>>
    tpu.enqueue_dma source(%dma_start3A_116 : memref<400x16xf32, #tpu.memory_space<hbm>>) target(%arg4 : memref<400x16xf32, #tpu.memory_space<vmem>>) target_semaphore(%arg6 : memref<!tpu.dma_semaphore, #tpu.memory_space<semaphore_mem>>)
    %add3A_117 = arith.constant 2000 : i32
    %add3A_118 = arith.addi %mul3A_2, %add3A_117 : i32
    %dma_start3A_119 = arith.constant 0 : i32
    %dma_start3A_120 = tpu.memref_slice %arg3[%add3A_118, %dma_start3A_119] : memref<320000x16xf32, #tpu.memory_space<hbm>> -> memref<400x16xf32, #tpu.memory_space<hbm>>
    %dma_start3A_121 = arith.constant 0 : i32
    %dma_start3A_122 = tpu.memref_slice %arg3[%add3A_118, %dma_start3A_121] : memref<320000x16xf32, #tpu.memory_space<hbm>> -> memref<400x16xf32, #tpu.memory_space<hbm>>
    tpu.enqueue_dma source(%arg5 : memref<400x16xf32, #tpu.memory_space<vmem>>) target(%dma_start3A_122 : memref<400x16xf32, #tpu.memory_space<hbm>>) target_semaphore(%arg9 : memref<!tpu.dma_semaphore, #tpu.memory_space<semaphore_mem>>)
    %dma_wait3A_123 = arith.constant 0 : i32
    %dma_wait3A_124 = tpu.memref_slice %arg2[%add3A_112, %dma_wait3A_123] : memref<320000x16xf32, #tpu.memory_space<hbm>> -> memref<400x16xf32, #tpu.memory_space<hbm>>
    %dma_wait3A_125 = arith.constant 0 : i32
    %dma_wait3A_126 = tpu.memref_slice %arg2[%add3A_112, %dma_wait3A_125] : memref<320000x16xf32, #tpu.memory_space<hbm>> -> memref<400x16xf32, #tpu.memory_space<hbm>>
    tpu.wait_dma2 semaphore(%arg6 : memref<!tpu.dma_semaphore, #tpu.memory_space<semaphore_mem>>) src(%dma_wait3A_126 : memref<400x16xf32, #tpu.memory_space<hbm>>) dst(%arg4 : memref<400x16xf32, #tpu.memory_space<vmem>>)
    %dma_wait3A_127 = arith.constant 0 : i32
    %dma_wait3A_128 = tpu.memref_slice %arg3[%add3A_118, %dma_wait3A_127] : memref<320000x16xf32, #tpu.memory_space<hbm>> -> memref<400x16xf32, #tpu.memory_space<hbm>>
    %dma_wait3A_129 = arith.constant 0 : i32
    %dma_wait3A_130 = tpu.memref_slice %arg3[%add3A_118, %dma_wait3A_129] : memref<320000x16xf32, #tpu.memory_space<hbm>> -> memref<400x16xf32, #tpu.memory_space<hbm>>
    tpu.wait_dma2 semaphore(%arg9 : memref<!tpu.dma_semaphore, #tpu.memory_space<semaphore_mem>>) src(%arg5 : memref<400x16xf32, #tpu.memory_space<vmem>>) dst(%dma_wait3A_130 : memref<400x16xf32, #tpu.memory_space<hbm>>)
    %add3A_131 = arith.constant 2800 : i32
    %add3A_132 = arith.addi %mul3A_2, %add3A_131 : i32
    %dma_start3A_133 = arith.constant 0 : i32
    %dma_start3A_134 = tpu.memref_slice %arg2[%add3A_132, %dma_start3A_133] : memref<320000x16xf32, #tpu.memory_space<hbm>> -> memref<400x16xf32, #tpu.memory_space<hbm>>
    %dma_start3A_135 = arith.constant 0 : i32
    %dma_start3A_136 = tpu.memref_slice %arg2[%add3A_132, %dma_start3A_135] : memref<320000x16xf32, #tpu.memory_space<hbm>> -> memref<400x16xf32, #tpu.memory_space<hbm>>
    tpu.enqueue_dma source(%dma_start3A_136 : memref<400x16xf32, #tpu.memory_space<hbm>>) target(%arg5 : memref<400x16xf32, #tpu.memory_space<vmem>>) target_semaphore(%arg7 : memref<!tpu.dma_semaphore, #tpu.memory_space<semaphore_mem>>)
    %add3A_137 = arith.constant 2400 : i32
    %add3A_138 = arith.addi %mul3A_2, %add3A_137 : i32
    %dma_start3A_139 = arith.constant 0 : i32
    %dma_start3A_140 = tpu.memref_slice %arg3[%add3A_138, %dma_start3A_139] : memref<320000x16xf32, #tpu.memory_space<hbm>> -> memref<400x16xf32, #tpu.memory_space<hbm>>
    %dma_start3A_141 = arith.constant 0 : i32
    %dma_start3A_142 = tpu.memref_slice %arg3[%add3A_138, %dma_start3A_141] : memref<320000x16xf32, #tpu.memory_space<hbm>> -> memref<400x16xf32, #tpu.memory_space<hbm>>
    tpu.enqueue_dma source(%arg4 : memref<400x16xf32, #tpu.memory_space<vmem>>) target(%dma_start3A_142 : memref<400x16xf32, #tpu.memory_space<hbm>>) target_semaphore(%arg8 : memref<!tpu.dma_semaphore, #tpu.memory_space<semaphore_mem>>)
    %dma_wait3A_143 = arith.constant 0 : i32
    %dma_wait3A_144 = tpu.memref_slice %arg2[%add3A_132, %dma_wait3A_143] : memref<320000x16xf32, #tpu.memory_space<hbm>> -> memref<400x16xf32, #tpu.memory_space<hbm>>
    %dma_wait3A_145 = arith.constant 0 : i32
    %dma_wait3A_146 = tpu.memref_slice %arg2[%add3A_132, %dma_wait3A_145] : memref<320000x16xf32, #tpu.memory_space<hbm>> -> memref<400x16xf32, #tpu.memory_space<hbm>>
    tpu.wait_dma2 semaphore(%arg7 : memref<!tpu.dma_semaphore, #tpu.memory_space<semaphore_mem>>) src(%dma_wait3A_146 : memref<400x16xf32, #tpu.memory_space<hbm>>) dst(%arg5 : memref<400x16xf32, #tpu.memory_space<vmem>>)
    %dma_wait3A_147 = arith.constant 0 : i32
    %dma_wait3A_148 = tpu.memref_slice %arg3[%add3A_138, %dma_wait3A_147] : memref<320000x16xf32, #tpu.memory_space<hbm>> -> memref<400x16xf32, #tpu.memory_space<hbm>>
    %dma_wait3A_149 = arith.constant 0 : i32
    %dma_wait3A_150 = tpu.memref_slice %arg3[%add3A_138, %dma_wait3A_149] : memref<320000x16xf32, #tpu.memory_space<hbm>> -> memref<400x16xf32, #tpu.memory_space<hbm>>
    tpu.wait_dma2 semaphore(%arg8 : memref<!tpu.dma_semaphore, #tpu.memory_space<semaphore_mem>>) src(%arg4 : memref<400x16xf32, #tpu.memory_space<vmem>>) dst(%dma_wait3A_150 : memref<400x16xf32, #tpu.memory_space<hbm>>)
    %add3A_151 = arith.constant 3200 : i32
    %add3A_152 = arith.addi %mul3A_2, %add3A_151 : i32
    %dma_start3A_153 = arith.constant 0 : i32
    %dma_start3A_154 = tpu.memref_slice %arg2[%add3A_152, %dma_start3A_153] : memref<320000x16xf32, #tpu.memory_space<hbm>> -> memref<400x16xf32, #tpu.memory_space<hbm>>
    %dma_start3A_155 = arith.constant 0 : i32
    %dma_start3A_156 = tpu.memref_slice %arg2[%add3A_152, %dma_start3A_155] : memref<320000x16xf32, #tpu.memory_space<hbm>> -> memref<400x16xf32, #tpu.memory_space<hbm>>
    tpu.enqueue_dma source(%dma_start3A_156 : memref<400x16xf32, #tpu.memory_space<hbm>>) target(%arg4 : memref<400x16xf32, #tpu.memory_space<vmem>>) target_semaphore(%arg6 : memref<!tpu.dma_semaphore, #tpu.memory_space<semaphore_mem>>)
    %add3A_157 = arith.constant 2800 : i32
    %add3A_158 = arith.addi %mul3A_2, %add3A_157 : i32
    %dma_start3A_159 = arith.constant 0 : i32
    %dma_start3A_160 = tpu.memref_slice %arg3[%add3A_158, %dma_start3A_159] : memref<320000x16xf32, #tpu.memory_space<hbm>> -> memref<400x16xf32, #tpu.memory_space<hbm>>
    %dma_start3A_161 = arith.constant 0 : i32
    %dma_start3A_162 = tpu.memref_slice %arg3[%add3A_158, %dma_start3A_161] : memref<320000x16xf32, #tpu.memory_space<hbm>> -> memref<400x16xf32, #tpu.memory_space<hbm>>
    tpu.enqueue_dma source(%arg5 : memref<400x16xf32, #tpu.memory_space<vmem>>) target(%dma_start3A_162 : memref<400x16xf32, #tpu.memory_space<hbm>>) target_semaphore(%arg9 : memref<!tpu.dma_semaphore, #tpu.memory_space<semaphore_mem>>)
    %dma_wait3A_163 = arith.constant 0 : i32
    %dma_wait3A_164 = tpu.memref_slice %arg2[%add3A_152, %dma_wait3A_163] : memref<320000x16xf32, #tpu.memory_space<hbm>> -> memref<400x16xf32, #tpu.memory_space<hbm>>
    %dma_wait3A_165 = arith.constant 0 : i32
    %dma_wait3A_166 = tpu.memref_slice %arg2[%add3A_152, %dma_wait3A_165] : memref<320000x16xf32, #tpu.memory_space<hbm>> -> memref<400x16xf32, #tpu.memory_space<hbm>>
    tpu.wait_dma2 semaphore(%arg6 : memref<!tpu.dma_semaphore, #tpu.memory_space<semaphore_mem>>) src(%dma_wait3A_166 : memref<400x16xf32, #tpu.memory_space<hbm>>) dst(%arg4 : memref<400x16xf32, #tpu.memory_space<vmem>>)
    %dma_wait3A_167 = arith.constant 0 : i32
    %dma_wait3A_168 = tpu.memref_slice %arg3[%add3A_158, %dma_wait3A_167] : memref<320000x16xf32, #tpu.memory_space<hbm>> -> memref<400x16xf32, #tpu.memory_space<hbm>>
    %dma_wait3A_169 = arith.constant 0 : i32
    %dma_wait3A_170 = tpu.memref_slice %arg3[%add3A_158, %dma_wait3A_169] : memref<320000x16xf32, #tpu.memory_space<hbm>> -> memref<400x16xf32, #tpu.memory_space<hbm>>
    tpu.wait_dma2 semaphore(%arg9 : memref<!tpu.dma_semaphore, #tpu.memory_space<semaphore_mem>>) src(%arg5 : memref<400x16xf32, #tpu.memory_space<vmem>>) dst(%dma_wait3A_170 : memref<400x16xf32, #tpu.memory_space<hbm>>)
    %add3A_171 = arith.constant 3600 : i32
    %add3A_172 = arith.addi %mul3A_2, %add3A_171 : i32
    %dma_start3A_173 = arith.constant 0 : i32
    %dma_start3A_174 = tpu.memref_slice %arg2[%add3A_172, %dma_start3A_173] : memref<320000x16xf32, #tpu.memory_space<hbm>> -> memref<400x16xf32, #tpu.memory_space<hbm>>
    %dma_start3A_175 = arith.constant 0 : i32
    %dma_start3A_176 = tpu.memref_slice %arg2[%add3A_172, %dma_start3A_175] : memref<320000x16xf32, #tpu.memory_space<hbm>> -> memref<400x16xf32, #tpu.memory_space<hbm>>
    tpu.enqueue_dma source(%dma_start3A_176 : memref<400x16xf32, #tpu.memory_space<hbm>>) target(%arg5 : memref<400x16xf32, #tpu.memory_space<vmem>>) target_semaphore(%arg7 : memref<!tpu.dma_semaphore, #tpu.memory_space<semaphore_mem>>)
    %add3A_177 = arith.constant 3200 : i32
    %add3A_178 = arith.addi %mul3A_2, %add3A_177 : i32
    %dma_start3A_179 = arith.constant 0 : i32
    %dma_start3A_180 = tpu.memref_slice %arg3[%add3A_178, %dma_start3A_179] : memref<320000x16xf32, #tpu.memory_space<hbm>> -> memref<400x16xf32, #tpu.memory_space<hbm>>
    %dma_start3A_181 = arith.constant 0 : i32
    %dma_start3A_182 = tpu.memref_slice %arg3[%add3A_178, %dma_start3A_181] : memref<320000x16xf32, #tpu.memory_space<hbm>> -> memref<400x16xf32, #tpu.memory_space<hbm>>
    tpu.enqueue_dma source(%arg4 : memref<400x16xf32, #tpu.memory_space<vmem>>) target(%dma_start3A_182 : memref<400x16xf32, #tpu.memory_space<hbm>>) target_semaphore(%arg8 : memref<!tpu.dma_semaphore, #tpu.memory_space<semaphore_mem>>)
    %dma_wait3A_183 = arith.constant 0 : i32
    %dma_wait3A_184 = tpu.memref_slice %arg2[%add3A_172, %dma_wait3A_183] : memref<320000x16xf32, #tpu.memory_space<hbm>> -> memref<400x16xf32, #tpu.memory_space<hbm>>
    %dma_wait3A_185 = arith.constant 0 : i32
    %dma_wait3A_186 = tpu.memref_slice %arg2[%add3A_172, %dma_wait3A_185] : memref<320000x16xf32, #tpu.memory_space<hbm>> -> memref<400x16xf32, #tpu.memory_space<hbm>>
    tpu.wait_dma2 semaphore(%arg7 : memref<!tpu.dma_semaphore, #tpu.memory_space<semaphore_mem>>) src(%dma_wait3A_186 : memref<400x16xf32, #tpu.memory_space<hbm>>) dst(%arg5 : memref<400x16xf32, #tpu.memory_space<vmem>>)
    %dma_wait3A_187 = arith.constant 0 : i32
    %dma_wait3A_188 = tpu.memref_slice %arg3[%add3A_178, %dma_wait3A_187] : memref<320000x16xf32, #tpu.memory_space<hbm>> -> memref<400x16xf32, #tpu.memory_space<hbm>>
    %dma_wait3A_189 = arith.constant 0 : i32
    %dma_wait3A_190 = tpu.memref_slice %arg3[%add3A_178, %dma_wait3A_189] : memref<320000x16xf32, #tpu.memory_space<hbm>> -> memref<400x16xf32, #tpu.memory_space<hbm>>
    tpu.wait_dma2 semaphore(%arg8 : memref<!tpu.dma_semaphore, #tpu.memory_space<semaphore_mem>>) src(%arg4 : memref<400x16xf32, #tpu.memory_space<vmem>>) dst(%dma_wait3A_190 : memref<400x16xf32, #tpu.memory_space<hbm>>)
    %add3A_191 = arith.constant 4000 : i32
    %add3A_192 = arith.addi %mul3A_2, %add3A_191 : i32
    %dma_start3A_193 = arith.constant 0 : i32
    %dma_start3A_194 = tpu.memref_slice %arg2[%add3A_192, %dma_start3A_193] : memref<320000x16xf32, #tpu.memory_space<hbm>> -> memref<400x16xf32, #tpu.memory_space<hbm>>
    %dma_start3A_195 = arith.constant 0 : i32
    %dma_start3A_196 = tpu.memref_slice %arg2[%add3A_192, %dma_start3A_195] : memref<320000x16xf32, #tpu.memory_space<hbm>> -> memref<400x16xf32, #tpu.memory_space<hbm>>
    tpu.enqueue_dma source(%dma_start3A_196 : memref<400x16xf32, #tpu.memory_space<hbm>>) target(%arg4 : memref<400x16xf32, #tpu.memory_space<vmem>>) target_semaphore(%arg6 : memref<!tpu.dma_semaphore, #tpu.memory_space<semaphore_mem>>)
    %add3A_197 = arith.constant 3600 : i32
    %add3A_198 = arith.addi %mul3A_2, %add3A_197 : i32
    %dma_start3A_199 = arith.constant 0 : i32
    %dma_start3A_200 = tpu.memref_slice %arg3[%add3A_198, %dma_start3A_199] : memref<320000x16xf32, #tpu.memory_space<hbm>> -> memref<400x16xf32, #tpu.memory_space<hbm>>
    %dma_start3A_201 = arith.constant 0 : i32
    %dma_start3A_202 = tpu.memref_slice %arg3[%add3A_198, %dma_start3A_201] : memref<320000x16xf32, #tpu.memory_space<hbm>> -> memref<400x16xf32, #tpu.memory_space<hbm>>
    tpu.enqueue_dma source(%arg5 : memref<400x16xf32, #tpu.memory_space<vmem>>) target(%dma_start3A_202 : memref<400x16xf32, #tpu.memory_space<hbm>>) target_semaphore(%arg9 : memref<!tpu.dma_semaphore, #tpu.memory_space<semaphore_mem>>)
    %dma_wait3A_203 = arith.constant 0 : i32
    %dma_wait3A_204 = tpu.memref_slice %arg2[%add3A_192, %dma_wait3A_203] : memref<320000x16xf32, #tpu.memory_space<hbm>> -> memref<400x16xf32, #tpu.memory_space<hbm>>
    %dma_wait3A_205 = arith.constant 0 : i32
    %dma_wait3A_206 = tpu.memref_slice %arg2[%add3A_192, %dma_wait3A_205] : memref<320000x16xf32, #tpu.memory_space<hbm>> -> memref<400x16xf32, #tpu.memory_space<hbm>>
    tpu.wait_dma2 semaphore(%arg6 : memref<!tpu.dma_semaphore, #tpu.memory_space<semaphore_mem>>) src(%dma_wait3A_206 : memref<400x16xf32, #tpu.memory_space<hbm>>) dst(%arg4 : memref<400x16xf32, #tpu.memory_space<vmem>>)
    %dma_wait3A_207 = arith.constant 0 : i32
    %dma_wait3A_208 = tpu.memref_slice %arg3[%add3A_198, %dma_wait3A_207] : memref<320000x16xf32, #tpu.memory_space<hbm>> -> memref<400x16xf32, #tpu.memory_space<hbm>>
    %dma_wait3A_209 = arith.constant 0 : i32
    %dma_wait3A_210 = tpu.memref_slice %arg3[%add3A_198, %dma_wait3A_209] : memref<320000x16xf32, #tpu.memory_space<hbm>> -> memref<400x16xf32, #tpu.memory_space<hbm>>
    tpu.wait_dma2 semaphore(%arg9 : memref<!tpu.dma_semaphore, #tpu.memory_space<semaphore_mem>>) src(%arg5 : memref<400x16xf32, #tpu.memory_space<vmem>>) dst(%dma_wait3A_210 : memref<400x16xf32, #tpu.memory_space<hbm>>)
    %add3A_211 = arith.constant 4400 : i32
    %add3A_212 = arith.addi %mul3A_2, %add3A_211 : i32
    %dma_start3A_213 = arith.constant 0 : i32
    %dma_start3A_214 = tpu.memref_slice %arg2[%add3A_212, %dma_start3A_213] : memref<320000x16xf32, #tpu.memory_space<hbm>> -> memref<400x16xf32, #tpu.memory_space<hbm>>
    %dma_start3A_215 = arith.constant 0 : i32
    %dma_start3A_216 = tpu.memref_slice %arg2[%add3A_212, %dma_start3A_215] : memref<320000x16xf32, #tpu.memory_space<hbm>> -> memref<400x16xf32, #tpu.memory_space<hbm>>
    tpu.enqueue_dma source(%dma_start3A_216 : memref<400x16xf32, #tpu.memory_space<hbm>>) target(%arg5 : memref<400x16xf32, #tpu.memory_space<vmem>>) target_semaphore(%arg7 : memref<!tpu.dma_semaphore, #tpu.memory_space<semaphore_mem>>)
    %add3A_217 = arith.constant 4000 : i32
    %add3A_218 = arith.addi %mul3A_2, %add3A_217 : i32
    %dma_start3A_219 = arith.constant 0 : i32
    %dma_start3A_220 = tpu.memref_slice %arg3[%add3A_218, %dma_start3A_219] : memref<320000x16xf32, #tpu.memory_space<hbm>> -> memref<400x16xf32, #tpu.memory_space<hbm>>
    %dma_start3A_221 = arith.constant 0 : i32
    %dma_start3A_222 = tpu.memref_slice %arg3[%add3A_218, %dma_start3A_221] : memref<320000x16xf32, #tpu.memory_space<hbm>> -> memref<400x16xf32, #tpu.memory_space<hbm>>
    tpu.enqueue_dma source(%arg4 : memref<400x16xf32, #tpu.memory_space<vmem>>) target(%dma_start3A_222 : memref<400x16xf32, #tpu.memory_space<hbm>>) target_semaphore(%arg8 : memref<!tpu.dma_semaphore, #tpu.memory_space<semaphore_mem>>)
    %dma_wait3A_223 = arith.constant 0 : i32
    %dma_wait3A_224 = tpu.memref_slice %arg2[%add3A_212, %dma_wait3A_223] : memref<320000x16xf32, #tpu.memory_space<hbm>> -> memref<400x16xf32, #tpu.memory_space<hbm>>
    %dma_wait3A_225 = arith.constant 0 : i32
    %dma_wait3A_226 = tpu.memref_slice %arg2[%add3A_212, %dma_wait3A_225] : memref<320000x16xf32, #tpu.memory_space<hbm>> -> memref<400x16xf32, #tpu.memory_space<hbm>>
    tpu.wait_dma2 semaphore(%arg7 : memref<!tpu.dma_semaphore, #tpu.memory_space<semaphore_mem>>) src(%dma_wait3A_226 : memref<400x16xf32, #tpu.memory_space<hbm>>) dst(%arg5 : memref<400x16xf32, #tpu.memory_space<vmem>>)
    %dma_wait3A_227 = arith.constant 0 : i32
    %dma_wait3A_228 = tpu.memref_slice %arg3[%add3A_218, %dma_wait3A_227] : memref<320000x16xf32, #tpu.memory_space<hbm>> -> memref<400x16xf32, #tpu.memory_space<hbm>>
    %dma_wait3A_229 = arith.constant 0 : i32
    %dma_wait3A_230 = tpu.memref_slice %arg3[%add3A_218, %dma_wait3A_229] : memref<320000x16xf32, #tpu.memory_space<hbm>> -> memref<400x16xf32, #tpu.memory_space<hbm>>
    tpu.wait_dma2 semaphore(%arg8 : memref<!tpu.dma_semaphore, #tpu.memory_space<semaphore_mem>>) src(%arg4 : memref<400x16xf32, #tpu.memory_space<vmem>>) dst(%dma_wait3A_230 : memref<400x16xf32, #tpu.memory_space<hbm>>)
    %add3A_231 = arith.constant 4800 : i32
    %add3A_232 = arith.addi %mul3A_2, %add3A_231 : i32
    %dma_start3A_233 = arith.constant 0 : i32
    %dma_start3A_234 = tpu.memref_slice %arg2[%add3A_232, %dma_start3A_233] : memref<320000x16xf32, #tpu.memory_space<hbm>> -> memref<400x16xf32, #tpu.memory_space<hbm>>
    %dma_start3A_235 = arith.constant 0 : i32
    %dma_start3A_236 = tpu.memref_slice %arg2[%add3A_232, %dma_start3A_235] : memref<320000x16xf32, #tpu.memory_space<hbm>> -> memref<400x16xf32, #tpu.memory_space<hbm>>
    tpu.enqueue_dma source(%dma_start3A_236 : memref<400x16xf32, #tpu.memory_space<hbm>>) target(%arg4 : memref<400x16xf32, #tpu.memory_space<vmem>>) target_semaphore(%arg6 : memref<!tpu.dma_semaphore, #tpu.memory_space<semaphore_mem>>)
    %add3A_237 = arith.constant 4400 : i32
    %add3A_238 = arith.addi %mul3A_2, %add3A_237 : i32
    %dma_start3A_239 = arith.constant 0 : i32
    %dma_start3A_240 = tpu.memref_slice %arg3[%add3A_238, %dma_start3A_239] : memref<320000x16xf32, #tpu.memory_space<hbm>> -> memref<400x16xf32, #tpu.memory_space<hbm>>
    %dma_start3A_241 = arith.constant 0 : i32
    %dma_start3A_242 = tpu.memref_slice %arg3[%add3A_238, %dma_start3A_241] : memref<320000x16xf32, #tpu.memory_space<hbm>> -> memref<400x16xf32, #tpu.memory_space<hbm>>
    tpu.enqueue_dma source(%arg5 : memref<400x16xf32, #tpu.memory_space<vmem>>) target(%dma_start3A_242 : memref<400x16xf32, #tpu.memory_space<hbm>>) target_semaphore(%arg9 : memref<!tpu.dma_semaphore, #tpu.memory_space<semaphore_mem>>)
    %dma_wait3A_243 = arith.constant 0 : i32
    %dma_wait3A_244 = tpu.memref_slice %arg2[%add3A_232, %dma_wait3A_243] : memref<320000x16xf32, #tpu.memory_space<hbm>> -> memref<400x16xf32, #tpu.memory_space<hbm>>
    %dma_wait3A_245 = arith.constant 0 : i32
    %dma_wait3A_246 = tpu.memref_slice %arg2[%add3A_232, %dma_wait3A_245] : memref<320000x16xf32, #tpu.memory_space<hbm>> -> memref<400x16xf32, #tpu.memory_space<hbm>>
    tpu.wait_dma2 semaphore(%arg6 : memref<!tpu.dma_semaphore, #tpu.memory_space<semaphore_mem>>) src(%dma_wait3A_246 : memref<400x16xf32, #tpu.memory_space<hbm>>) dst(%arg4 : memref<400x16xf32, #tpu.memory_space<vmem>>)
    %dma_wait3A_247 = arith.constant 0 : i32
    %dma_wait3A_248 = tpu.memref_slice %arg3[%add3A_238, %dma_wait3A_247] : memref<320000x16xf32, #tpu.memory_space<hbm>> -> memref<400x16xf32, #tpu.memory_space<hbm>>
    %dma_wait3A_249 = arith.constant 0 : i32
    %dma_wait3A_250 = tpu.memref_slice %arg3[%add3A_238, %dma_wait3A_249] : memref<320000x16xf32, #tpu.memory_space<hbm>> -> memref<400x16xf32, #tpu.memory_space<hbm>>
    tpu.wait_dma2 semaphore(%arg9 : memref<!tpu.dma_semaphore, #tpu.memory_space<semaphore_mem>>) src(%arg5 : memref<400x16xf32, #tpu.memory_space<vmem>>) dst(%dma_wait3A_250 : memref<400x16xf32, #tpu.memory_space<hbm>>)
    %add3A_251 = arith.constant 5200 : i32
    %add3A_252 = arith.addi %mul3A_2, %add3A_251 : i32
    %dma_start3A_253 = arith.constant 0 : i32
    %dma_start3A_254 = tpu.memref_slice %arg2[%add3A_252, %dma_start3A_253] : memref<320000x16xf32, #tpu.memory_space<hbm>> -> memref<400x16xf32, #tpu.memory_space<hbm>>
    %dma_start3A_255 = arith.constant 0 : i32
    %dma_start3A_256 = tpu.memref_slice %arg2[%add3A_252, %dma_start3A_255] : memref<320000x16xf32, #tpu.memory_space<hbm>> -> memref<400x16xf32, #tpu.memory_space<hbm>>
    tpu.enqueue_dma source(%dma_start3A_256 : memref<400x16xf32, #tpu.memory_space<hbm>>) target(%arg5 : memref<400x16xf32, #tpu.memory_space<vmem>>) target_semaphore(%arg7 : memref<!tpu.dma_semaphore, #tpu.memory_space<semaphore_mem>>)
    %add3A_257 = arith.constant 4800 : i32
    %add3A_258 = arith.addi %mul3A_2, %add3A_257 : i32
    %dma_start3A_259 = arith.constant 0 : i32
    %dma_start3A_260 = tpu.memref_slice %arg3[%add3A_258, %dma_start3A_259] : memref<320000x16xf32, #tpu.memory_space<hbm>> -> memref<400x16xf32, #tpu.memory_space<hbm>>
    %dma_start3A_261 = arith.constant 0 : i32
    %dma_start3A_262 = tpu.memref_slice %arg3[%add3A_258, %dma_start3A_261] : memref<320000x16xf32, #tpu.memory_space<hbm>> -> memref<400x16xf32, #tpu.memory_space<hbm>>
    tpu.enqueue_dma source(%arg4 : memref<400x16xf32, #tpu.memory_space<vmem>>) target(%dma_start3A_262 : memref<400x16xf32, #tpu.memory_space<hbm>>) target_semaphore(%arg8 : memref<!tpu.dma_semaphore, #tpu.memory_space<semaphore_mem>>)
    %dma_wait3A_263 = arith.constant 0 : i32
    %dma_wait3A_264 = tpu.memref_slice %arg2[%add3A_252, %dma_wait3A_263] : memref<320000x16xf32, #tpu.memory_space<hbm>> -> memref<400x16xf32, #tpu.memory_space<hbm>>
    %dma_wait3A_265 = arith.constant 0 : i32
    %dma_wait3A_266 = tpu.memref_slice %arg2[%add3A_252, %dma_wait3A_265] : memref<320000x16xf32, #tpu.memory_space<hbm>> -> memref<400x16xf32, #tpu.memory_space<hbm>>
    tpu.wait_dma2 semaphore(%arg7 : memref<!tpu.dma_semaphore, #tpu.memory_space<semaphore_mem>>) src(%dma_wait3A_266 : memref<400x16xf32, #tpu.memory_space<hbm>>) dst(%arg5 : memref<400x16xf32, #tpu.memory_space<vmem>>)
    %dma_wait3A_267 = arith.constant 0 : i32
    %dma_wait3A_268 = tpu.memref_slice %arg3[%add3A_258, %dma_wait3A_267] : memref<320000x16xf32, #tpu.memory_space<hbm>> -> memref<400x16xf32, #tpu.memory_space<hbm>>
    %dma_wait3A_269 = arith.constant 0 : i32
    %dma_wait3A_270 = tpu.memref_slice %arg3[%add3A_258, %dma_wait3A_269] : memref<320000x16xf32, #tpu.memory_space<hbm>> -> memref<400x16xf32, #tpu.memory_space<hbm>>
    tpu.wait_dma2 semaphore(%arg8 : memref<!tpu.dma_semaphore, #tpu.memory_space<semaphore_mem>>) src(%arg4 : memref<400x16xf32, #tpu.memory_space<vmem>>) dst(%dma_wait3A_270 : memref<400x16xf32, #tpu.memory_space<hbm>>)
    %add3A_271 = arith.constant 5600 : i32
    %add3A_272 = arith.addi %mul3A_2, %add3A_271 : i32
    %dma_start3A_273 = arith.constant 0 : i32
    %dma_start3A_274 = tpu.memref_slice %arg2[%add3A_272, %dma_start3A_273] : memref<320000x16xf32, #tpu.memory_space<hbm>> -> memref<400x16xf32, #tpu.memory_space<hbm>>
    %dma_start3A_275 = arith.constant 0 : i32
    %dma_start3A_276 = tpu.memref_slice %arg2[%add3A_272, %dma_start3A_275] : memref<320000x16xf32, #tpu.memory_space<hbm>> -> memref<400x16xf32, #tpu.memory_space<hbm>>
    tpu.enqueue_dma source(%dma_start3A_276 : memref<400x16xf32, #tpu.memory_space<hbm>>) target(%arg4 : memref<400x16xf32, #tpu.memory_space<vmem>>) target_semaphore(%arg6 : memref<!tpu.dma_semaphore, #tpu.memory_space<semaphore_mem>>)
    %add3A_277 = arith.constant 5200 : i32
    %add3A_278 = arith.addi %mul3A_2, %add3A_277 : i32
    %dma_start3A_279 = arith.constant 0 : i32
    %dma_start3A_280 = tpu.memref_slice %arg3[%add3A_278, %dma_start3A_279] : memref<320000x16xf32, #tpu.memory_space<hbm>> -> memref<400x16xf32, #tpu.memory_space<hbm>>
    %dma_start3A_281 = arith.constant 0 : i32
    %dma_start3A_282 = tpu.memref_slice %arg3[%add3A_278, %dma_start3A_281] : memref<320000x16xf32, #tpu.memory_space<hbm>> -> memref<400x16xf32, #tpu.memory_space<hbm>>
    tpu.enqueue_dma source(%arg5 : memref<400x16xf32, #tpu.memory_space<vmem>>) target(%dma_start3A_282 : memref<400x16xf32, #tpu.memory_space<hbm>>) target_semaphore(%arg9 : memref<!tpu.dma_semaphore, #tpu.memory_space<semaphore_mem>>)
    %dma_wait3A_283 = arith.constant 0 : i32
    %dma_wait3A_284 = tpu.memref_slice %arg2[%add3A_272, %dma_wait3A_283] : memref<320000x16xf32, #tpu.memory_space<hbm>> -> memref<400x16xf32, #tpu.memory_space<hbm>>
    %dma_wait3A_285 = arith.constant 0 : i32
    %dma_wait3A_286 = tpu.memref_slice %arg2[%add3A_272, %dma_wait3A_285] : memref<320000x16xf32, #tpu.memory_space<hbm>> -> memref<400x16xf32, #tpu.memory_space<hbm>>
    tpu.wait_dma2 semaphore(%arg6 : memref<!tpu.dma_semaphore, #tpu.memory_space<semaphore_mem>>) src(%dma_wait3A_286 : memref<400x16xf32, #tpu.memory_space<hbm>>) dst(%arg4 : memref<400x16xf32, #tpu.memory_space<vmem>>)
    %dma_wait3A_287 = arith.constant 0 : i32
    %dma_wait3A_288 = tpu.memref_slice %arg3[%add3A_278, %dma_wait3A_287] : memref<320000x16xf32, #tpu.memory_space<hbm>> -> memref<400x16xf32, #tpu.memory_space<hbm>>
    %dma_wait3A_289 = arith.constant 0 : i32
    %dma_wait3A_290 = tpu.memref_slice %arg3[%add3A_278, %dma_wait3A_289] : memref<320000x16xf32, #tpu.memory_space<hbm>> -> memref<400x16xf32, #tpu.memory_space<hbm>>
    tpu.wait_dma2 semaphore(%arg9 : memref<!tpu.dma_semaphore, #tpu.memory_space<semaphore_mem>>) src(%arg5 : memref<400x16xf32, #tpu.memory_space<vmem>>) dst(%dma_wait3A_290 : memref<400x16xf32, #tpu.memory_space<hbm>>)
    %add3A_291 = arith.constant 6000 : i32
    %add3A_292 = arith.addi %mul3A_2, %add3A_291 : i32
    %dma_start3A_293 = arith.constant 0 : i32
    %dma_start3A_294 = tpu.memref_slice %arg2[%add3A_292, %dma_start3A_293] : memref<320000x16xf32, #tpu.memory_space<hbm>> -> memref<400x16xf32, #tpu.memory_space<hbm>>
    %dma_start3A_295 = arith.constant 0 : i32
    %dma_start3A_296 = tpu.memref_slice %arg2[%add3A_292, %dma_start3A_295] : memref<320000x16xf32, #tpu.memory_space<hbm>> -> memref<400x16xf32, #tpu.memory_space<hbm>>
    tpu.enqueue_dma source(%dma_start3A_296 : memref<400x16xf32, #tpu.memory_space<hbm>>) target(%arg5 : memref<400x16xf32, #tpu.memory_space<vmem>>) target_semaphore(%arg7 : memref<!tpu.dma_semaphore, #tpu.memory_space<semaphore_mem>>)
    %add3A_297 = arith.constant 5600 : i32
    %add3A_298 = arith.addi %mul3A_2, %add3A_297 : i32
    %dma_start3A_299 = arith.constant 0 : i32
    %dma_start3A_300 = tpu.memref_slice %arg3[%add3A_298, %dma_start3A_299] : memref<320000x16xf32, #tpu.memory_space<hbm>> -> memref<400x16xf32, #tpu.memory_space<hbm>>
    %dma_start3A_301 = arith.constant 0 : i32
    %dma_start3A_302 = tpu.memref_slice %arg3[%add3A_298, %dma_start3A_301] : memref<320000x16xf32, #tpu.memory_space<hbm>> -> memref<400x16xf32, #tpu.memory_space<hbm>>
    tpu.enqueue_dma source(%arg4 : memref<400x16xf32, #tpu.memory_space<vmem>>) target(%dma_start3A_302 : memref<400x16xf32, #tpu.memory_space<hbm>>) target_semaphore(%arg8 : memref<!tpu.dma_semaphore, #tpu.memory_space<semaphore_mem>>)
    %dma_wait3A_303 = arith.constant 0 : i32
    %dma_wait3A_304 = tpu.memref_slice %arg2[%add3A_292, %dma_wait3A_303] : memref<320000x16xf32, #tpu.memory_space<hbm>> -> memref<400x16xf32, #tpu.memory_space<hbm>>
    %dma_wait3A_305 = arith.constant 0 : i32
    %dma_wait3A_306 = tpu.memref_slice %arg2[%add3A_292, %dma_wait3A_305] : memref<320000x16xf32, #tpu.memory_space<hbm>> -> memref<400x16xf32, #tpu.memory_space<hbm>>
    tpu.wait_dma2 semaphore(%arg7 : memref<!tpu.dma_semaphore, #tpu.memory_space<semaphore_mem>>) src(%dma_wait3A_306 : memref<400x16xf32, #tpu.memory_space<hbm>>) dst(%arg5 : memref<400x16xf32, #tpu.memory_space<vmem>>)
    %dma_wait3A_307 = arith.constant 0 : i32
    %dma_wait3A_308 = tpu.memref_slice %arg3[%add3A_298, %dma_wait3A_307] : memref<320000x16xf32, #tpu.memory_space<hbm>> -> memref<400x16xf32, #tpu.memory_space<hbm>>
    %dma_wait3A_309 = arith.constant 0 : i32
    %dma_wait3A_310 = tpu.memref_slice %arg3[%add3A_298, %dma_wait3A_309] : memref<320000x16xf32, #tpu.memory_space<hbm>> -> memref<400x16xf32, #tpu.memory_space<hbm>>
    tpu.wait_dma2 semaphore(%arg8 : memref<!tpu.dma_semaphore, #tpu.memory_space<semaphore_mem>>) src(%arg4 : memref<400x16xf32, #tpu.memory_space<vmem>>) dst(%dma_wait3A_310 : memref<400x16xf32, #tpu.memory_space<hbm>>)
    %add3A_311 = arith.constant 6400 : i32
    %add3A_312 = arith.addi %mul3A_2, %add3A_311 : i32
    %dma_start3A_313 = arith.constant 0 : i32
    %dma_start3A_314 = tpu.memref_slice %arg2[%add3A_312, %dma_start3A_313] : memref<320000x16xf32, #tpu.memory_space<hbm>> -> memref<400x16xf32, #tpu.memory_space<hbm>>
    %dma_start3A_315 = arith.constant 0 : i32
    %dma_start3A_316 = tpu.memref_slice %arg2[%add3A_312, %dma_start3A_315] : memref<320000x16xf32, #tpu.memory_space<hbm>> -> memref<400x16xf32, #tpu.memory_space<hbm>>
    tpu.enqueue_dma source(%dma_start3A_316 : memref<400x16xf32, #tpu.memory_space<hbm>>) target(%arg4 : memref<400x16xf32, #tpu.memory_space<vmem>>) target_semaphore(%arg6 : memref<!tpu.dma_semaphore, #tpu.memory_space<semaphore_mem>>)
    %add3A_317 = arith.constant 6000 : i32
    %add3A_318 = arith.addi %mul3A_2, %add3A_317 : i32
    %dma_start3A_319 = arith.constant 0 : i32
    %dma_start3A_320 = tpu.memref_slice %arg3[%add3A_318, %dma_start3A_319] : memref<320000x16xf32, #tpu.memory_space<hbm>> -> memref<400x16xf32, #tpu.memory_space<hbm>>
    %dma_start3A_321 = arith.constant 0 : i32
    %dma_start3A_322 = tpu.memref_slice %arg3[%add3A_318, %dma_start3A_321] : memref<320000x16xf32, #tpu.memory_space<hbm>> -> memref<400x16xf32, #tpu.memory_space<hbm>>
    tpu.enqueue_dma source(%arg5 : memref<400x16xf32, #tpu.memory_space<vmem>>) target(%dma_start3A_322 : memref<400x16xf32, #tpu.memory_space<hbm>>) target_semaphore(%arg9 : memref<!tpu.dma_semaphore, #tpu.memory_space<semaphore_mem>>)
    %dma_wait3A_323 = arith.constant 0 : i32
    %dma_wait3A_324 = tpu.memref_slice %arg2[%add3A_312, %dma_wait3A_323] : memref<320000x16xf32, #tpu.memory_space<hbm>> -> memref<400x16xf32, #tpu.memory_space<hbm>>
    %dma_wait3A_325 = arith.constant 0 : i32
    %dma_wait3A_326 = tpu.memref_slice %arg2[%add3A_312, %dma_wait3A_325] : memref<320000x16xf32, #tpu.memory_space<hbm>> -> memref<400x16xf32, #tpu.memory_space<hbm>>
    tpu.wait_dma2 semaphore(%arg6 : memref<!tpu.dma_semaphore, #tpu.memory_space<semaphore_mem>>) src(%dma_wait3A_326 : memref<400x16xf32, #tpu.memory_space<hbm>>) dst(%arg4 : memref<400x16xf32, #tpu.memory_space<vmem>>)
    %dma_wait3A_327 = arith.constant 0 : i32
    %dma_wait3A_328 = tpu.memref_slice %arg3[%add3A_318, %dma_wait3A_327] : memref<320000x16xf32, #tpu.memory_space<hbm>> -> memref<400x16xf32, #tpu.memory_space<hbm>>
    %dma_wait3A_329 = arith.constant 0 : i32
    %dma_wait3A_330 = tpu.memref_slice %arg3[%add3A_318, %dma_wait3A_329] : memref<320000x16xf32, #tpu.memory_space<hbm>> -> memref<400x16xf32, #tpu.memory_space<hbm>>
    tpu.wait_dma2 semaphore(%arg9 : memref<!tpu.dma_semaphore, #tpu.memory_space<semaphore_mem>>) src(%arg5 : memref<400x16xf32, #tpu.memory_space<vmem>>) dst(%dma_wait3A_330 : memref<400x16xf32, #tpu.memory_space<hbm>>)
    %add3A_331 = arith.constant 6800 : i32
    %add3A_332 = arith.addi %mul3A_2, %add3A_331 : i32
    %dma_start3A_333 = arith.constant 0 : i32
    %dma_start3A_334 = tpu.memref_slice %arg2[%add3A_332, %dma_start3A_333] : memref<320000x16xf32, #tpu.memory_space<hbm>> -> memref<400x16xf32, #tpu.memory_space<hbm>>
    %dma_start3A_335 = arith.constant 0 : i32
    %dma_start3A_336 = tpu.memref_slice %arg2[%add3A_332, %dma_start3A_335] : memref<320000x16xf32, #tpu.memory_space<hbm>> -> memref<400x16xf32, #tpu.memory_space<hbm>>
    tpu.enqueue_dma source(%dma_start3A_336 : memref<400x16xf32, #tpu.memory_space<hbm>>) target(%arg5 : memref<400x16xf32, #tpu.memory_space<vmem>>) target_semaphore(%arg7 : memref<!tpu.dma_semaphore, #tpu.memory_space<semaphore_mem>>)
    %add3A_337 = arith.constant 6400 : i32
    %add3A_338 = arith.addi %mul3A_2, %add3A_337 : i32
    %dma_start3A_339 = arith.constant 0 : i32
    %dma_start3A_340 = tpu.memref_slice %arg3[%add3A_338, %dma_start3A_339] : memref<320000x16xf32, #tpu.memory_space<hbm>> -> memref<400x16xf32, #tpu.memory_space<hbm>>
    %dma_start3A_341 = arith.constant 0 : i32
    %dma_start3A_342 = tpu.memref_slice %arg3[%add3A_338, %dma_start3A_341] : memref<320000x16xf32, #tpu.memory_space<hbm>> -> memref<400x16xf32, #tpu.memory_space<hbm>>
    tpu.enqueue_dma source(%arg4 : memref<400x16xf32, #tpu.memory_space<vmem>>) target(%dma_start3A_342 : memref<400x16xf32, #tpu.memory_space<hbm>>) target_semaphore(%arg8 : memref<!tpu.dma_semaphore, #tpu.memory_space<semaphore_mem>>)
    %dma_wait3A_343 = arith.constant 0 : i32
    %dma_wait3A_344 = tpu.memref_slice %arg2[%add3A_332, %dma_wait3A_343] : memref<320000x16xf32, #tpu.memory_space<hbm>> -> memref<400x16xf32, #tpu.memory_space<hbm>>
    %dma_wait3A_345 = arith.constant 0 : i32
    %dma_wait3A_346 = tpu.memref_slice %arg2[%add3A_332, %dma_wait3A_345] : memref<320000x16xf32, #tpu.memory_space<hbm>> -> memref<400x16xf32, #tpu.memory_space<hbm>>
    tpu.wait_dma2 semaphore(%arg7 : memref<!tpu.dma_semaphore, #tpu.memory_space<semaphore_mem>>) src(%dma_wait3A_346 : memref<400x16xf32, #tpu.memory_space<hbm>>) dst(%arg5 : memref<400x16xf32, #tpu.memory_space<vmem>>)
    %dma_wait3A_347 = arith.constant 0 : i32
    %dma_wait3A_348 = tpu.memref_slice %arg3[%add3A_338, %dma_wait3A_347] : memref<320000x16xf32, #tpu.memory_space<hbm>> -> memref<400x16xf32, #tpu.memory_space<hbm>>
    %dma_wait3A_349 = arith.constant 0 : i32
    %dma_wait3A_350 = tpu.memref_slice %arg3[%add3A_338, %dma_wait3A_349] : memref<320000x16xf32, #tpu.memory_space<hbm>> -> memref<400x16xf32, #tpu.memory_space<hbm>>
    tpu.wait_dma2 semaphore(%arg8 : memref<!tpu.dma_semaphore, #tpu.memory_space<semaphore_mem>>) src(%arg4 : memref<400x16xf32, #tpu.memory_space<vmem>>) dst(%dma_wait3A_350 : memref<400x16xf32, #tpu.memory_space<hbm>>)
    %add3A_351 = arith.constant 7200 : i32
    %add3A_352 = arith.addi %mul3A_2, %add3A_351 : i32
    %dma_start3A_353 = arith.constant 0 : i32
    %dma_start3A_354 = tpu.memref_slice %arg2[%add3A_352, %dma_start3A_353] : memref<320000x16xf32, #tpu.memory_space<hbm>> -> memref<400x16xf32, #tpu.memory_space<hbm>>
    %dma_start3A_355 = arith.constant 0 : i32
    %dma_start3A_356 = tpu.memref_slice %arg2[%add3A_352, %dma_start3A_355] : memref<320000x16xf32, #tpu.memory_space<hbm>> -> memref<400x16xf32, #tpu.memory_space<hbm>>
    tpu.enqueue_dma source(%dma_start3A_356 : memref<400x16xf32, #tpu.memory_space<hbm>>) target(%arg4 : memref<400x16xf32, #tpu.memory_space<vmem>>) target_semaphore(%arg6 : memref<!tpu.dma_semaphore, #tpu.memory_space<semaphore_mem>>)
    %add3A_357 = arith.constant 6800 : i32
    %add3A_358 = arith.addi %mul3A_2, %add3A_357 : i32
    %dma_start3A_359 = arith.constant 0 : i32
    %dma_start3A_360 = tpu.memref_slice %arg3[%add3A_358, %dma_start3A_359] : memref<320000x16xf32, #tpu.memory_space<hbm>> -> memref<400x16xf32, #tpu.memory_space<hbm>>
    %dma_start3A_361 = arith.constant 0 : i32
    %dma_start3A_362 = tpu.memref_slice %arg3[%add3A_358, %dma_start3A_361] : memref<320000x16xf32, #tpu.memory_space<hbm>> -> memref<400x16xf32, #tpu.memory_space<hbm>>
    tpu.enqueue_dma source(%arg5 : memref<400x16xf32, #tpu.memory_space<vmem>>) target(%dma_start3A_362 : memref<400x16xf32, #tpu.memory_space<hbm>>) target_semaphore(%arg9 : memref<!tpu.dma_semaphore, #tpu.memory_space<semaphore_mem>>)
    %dma_wait3A_363 = arith.constant 0 : i32
    %dma_wait3A_364 = tpu.memref_slice %arg2[%add3A_352, %dma_wait3A_363] : memref<320000x16xf32, #tpu.memory_space<hbm>> -> memref<400x16xf32, #tpu.memory_space<hbm>>
    %dma_wait3A_365 = arith.constant 0 : i32
    %dma_wait3A_366 = tpu.memref_slice %arg2[%add3A_352, %dma_wait3A_365] : memref<320000x16xf32, #tpu.memory_space<hbm>> -> memref<400x16xf32, #tpu.memory_space<hbm>>
    tpu.wait_dma2 semaphore(%arg6 : memref<!tpu.dma_semaphore, #tpu.memory_space<semaphore_mem>>) src(%dma_wait3A_366 : memref<400x16xf32, #tpu.memory_space<hbm>>) dst(%arg4 : memref<400x16xf32, #tpu.memory_space<vmem>>)
    %dma_wait3A_367 = arith.constant 0 : i32
    %dma_wait3A_368 = tpu.memref_slice %arg3[%add3A_358, %dma_wait3A_367] : memref<320000x16xf32, #tpu.memory_space<hbm>> -> memref<400x16xf32, #tpu.memory_space<hbm>>
    %dma_wait3A_369 = arith.constant 0 : i32
    %dma_wait3A_370 = tpu.memref_slice %arg3[%add3A_358, %dma_wait3A_369] : memref<320000x16xf32, #tpu.memory_space<hbm>> -> memref<400x16xf32, #tpu.memory_space<hbm>>
    tpu.wait_dma2 semaphore(%arg9 : memref<!tpu.dma_semaphore, #tpu.memory_space<semaphore_mem>>) src(%arg5 : memref<400x16xf32, #tpu.memory_space<vmem>>) dst(%dma_wait3A_370 : memref<400x16xf32, #tpu.memory_space<hbm>>)
    %add3A_371 = arith.constant 7600 : i32
    %add3A_372 = arith.addi %mul3A_2, %add3A_371 : i32
    %dma_start3A_373 = arith.constant 0 : i32
    %dma_start3A_374 = tpu.memref_slice %arg2[%add3A_372, %dma_start3A_373] : memref<320000x16xf32, #tpu.memory_space<hbm>> -> memref<400x16xf32, #tpu.memory_space<hbm>>
    %dma_start3A_375 = arith.constant 0 : i32
    %dma_start3A_376 = tpu.memref_slice %arg2[%add3A_372, %dma_start3A_375] : memref<320000x16xf32, #tpu.memory_space<hbm>> -> memref<400x16xf32, #tpu.memory_space<hbm>>
    tpu.enqueue_dma source(%dma_start3A_376 : memref<400x16xf32, #tpu.memory_space<hbm>>) target(%arg5 : memref<400x16xf32, #tpu.memory_space<vmem>>) target_semaphore(%arg7 : memref<!tpu.dma_semaphore, #tpu.memory_space<semaphore_mem>>)
    %add3A_377 = arith.constant 7200 : i32
    %add3A_378 = arith.addi %mul3A_2, %add3A_377 : i32
    %dma_start3A_379 = arith.constant 0 : i32
    %dma_start3A_380 = tpu.memref_slice %arg3[%add3A_378, %dma_start3A_379] : memref<320000x16xf32, #tpu.memory_space<hbm>> -> memref<400x16xf32, #tpu.memory_space<hbm>>
    %dma_start3A_381 = arith.constant 0 : i32
    %dma_start3A_382 = tpu.memref_slice %arg3[%add3A_378, %dma_start3A_381] : memref<320000x16xf32, #tpu.memory_space<hbm>> -> memref<400x16xf32, #tpu.memory_space<hbm>>
    tpu.enqueue_dma source(%arg4 : memref<400x16xf32, #tpu.memory_space<vmem>>) target(%dma_start3A_382 : memref<400x16xf32, #tpu.memory_space<hbm>>) target_semaphore(%arg8 : memref<!tpu.dma_semaphore, #tpu.memory_space<semaphore_mem>>)
    %dma_wait3A_383 = arith.constant 0 : i32
    %dma_wait3A_384 = tpu.memref_slice %arg2[%add3A_372, %dma_wait3A_383] : memref<320000x16xf32, #tpu.memory_space<hbm>> -> memref<400x16xf32, #tpu.memory_space<hbm>>
    %dma_wait3A_385 = arith.constant 0 : i32
    %dma_wait3A_386 = tpu.memref_slice %arg2[%add3A_372, %dma_wait3A_385] : memref<320000x16xf32, #tpu.memory_space<hbm>> -> memref<400x16xf32, #tpu.memory_space<hbm>>
    tpu.wait_dma2 semaphore(%arg7 : memref<!tpu.dma_semaphore, #tpu.memory_space<semaphore_mem>>) src(%dma_wait3A_386 : memref<400x16xf32, #tpu.memory_space<hbm>>) dst(%arg5 : memref<400x16xf32, #tpu.memory_space<vmem>>)
    %dma_wait3A_387 = arith.constant 0 : i32
    %dma_wait3A_388 = tpu.memref_slice %arg3[%add3A_378, %dma_wait3A_387] : memref<320000x16xf32, #tpu.memory_space<hbm>> -> memref<400x16xf32, #tpu.memory_space<hbm>>
    %dma_wait3A_389 = arith.constant 0 : i32
    %dma_wait3A_390 = tpu.memref_slice %arg3[%add3A_378, %dma_wait3A_389] : memref<320000x16xf32, #tpu.memory_space<hbm>> -> memref<400x16xf32, #tpu.memory_space<hbm>>
    tpu.wait_dma2 semaphore(%arg8 : memref<!tpu.dma_semaphore, #tpu.memory_space<semaphore_mem>>) src(%arg4 : memref<400x16xf32, #tpu.memory_space<vmem>>) dst(%dma_wait3A_390 : memref<400x16xf32, #tpu.memory_space<hbm>>)
    %add3A_391 = arith.constant 8000 : i32
    %add3A_392 = arith.addi %mul3A_2, %add3A_391 : i32
    %dma_start3A_393 = arith.constant 0 : i32
    %dma_start3A_394 = tpu.memref_slice %arg2[%add3A_392, %dma_start3A_393] : memref<320000x16xf32, #tpu.memory_space<hbm>> -> memref<400x16xf32, #tpu.memory_space<hbm>>
    %dma_start3A_395 = arith.constant 0 : i32
    %dma_start3A_396 = tpu.memref_slice %arg2[%add3A_392, %dma_start3A_395] : memref<320000x16xf32, #tpu.memory_space<hbm>> -> memref<400x16xf32, #tpu.memory_space<hbm>>
    tpu.enqueue_dma source(%dma_start3A_396 : memref<400x16xf32, #tpu.memory_space<hbm>>) target(%arg4 : memref<400x16xf32, #tpu.memory_space<vmem>>) target_semaphore(%arg6 : memref<!tpu.dma_semaphore, #tpu.memory_space<semaphore_mem>>)
    %add3A_397 = arith.constant 7600 : i32
    %add3A_398 = arith.addi %mul3A_2, %add3A_397 : i32
    %dma_start3A_399 = arith.constant 0 : i32
    %dma_start3A_400 = tpu.memref_slice %arg3[%add3A_398, %dma_start3A_399] : memref<320000x16xf32, #tpu.memory_space<hbm>> -> memref<400x16xf32, #tpu.memory_space<hbm>>
    %dma_start3A_401 = arith.constant 0 : i32
    %dma_start3A_402 = tpu.memref_slice %arg3[%add3A_398, %dma_start3A_401] : memref<320000x16xf32, #tpu.memory_space<hbm>> -> memref<400x16xf32, #tpu.memory_space<hbm>>
    tpu.enqueue_dma source(%arg5 : memref<400x16xf32, #tpu.memory_space<vmem>>) target(%dma_start3A_402 : memref<400x16xf32, #tpu.memory_space<hbm>>) target_semaphore(%arg9 : memref<!tpu.dma_semaphore, #tpu.memory_space<semaphore_mem>>)
    %dma_wait3A_403 = arith.constant 0 : i32
    %dma_wait3A_404 = tpu.memref_slice %arg2[%add3A_392, %dma_wait3A_403] : memref<320000x16xf32, #tpu.memory_space<hbm>> -> memref<400x16xf32, #tpu.memory_space<hbm>>
    %dma_wait3A_405 = arith.constant 0 : i32
    %dma_wait3A_406 = tpu.memref_slice %arg2[%add3A_392, %dma_wait3A_405] : memref<320000x16xf32, #tpu.memory_space<hbm>> -> memref<400x16xf32, #tpu.memory_space<hbm>>
    tpu.wait_dma2 semaphore(%arg6 : memref<!tpu.dma_semaphore, #tpu.memory_space<semaphore_mem>>) src(%dma_wait3A_406 : memref<400x16xf32, #tpu.memory_space<hbm>>) dst(%arg4 : memref<400x16xf32, #tpu.memory_space<vmem>>)
    %dma_wait3A_407 = arith.constant 0 : i32
    %dma_wait3A_408 = tpu.memref_slice %arg3[%add3A_398, %dma_wait3A_407] : memref<320000x16xf32, #tpu.memory_space<hbm>> -> memref<400x16xf32, #tpu.memory_space<hbm>>
    %dma_wait3A_409 = arith.constant 0 : i32
    %dma_wait3A_410 = tpu.memref_slice %arg3[%add3A_398, %dma_wait3A_409] : memref<320000x16xf32, #tpu.memory_space<hbm>> -> memref<400x16xf32, #tpu.memory_space<hbm>>
    tpu.wait_dma2 semaphore(%arg9 : memref<!tpu.dma_semaphore, #tpu.memory_space<semaphore_mem>>) src(%arg5 : memref<400x16xf32, #tpu.memory_space<vmem>>) dst(%dma_wait3A_410 : memref<400x16xf32, #tpu.memory_space<hbm>>)
    %add3A_411 = arith.constant 8400 : i32
    %add3A_412 = arith.addi %mul3A_2, %add3A_411 : i32
    %dma_start3A_413 = arith.constant 0 : i32
    %dma_start3A_414 = tpu.memref_slice %arg2[%add3A_412, %dma_start3A_413] : memref<320000x16xf32, #tpu.memory_space<hbm>> -> memref<400x16xf32, #tpu.memory_space<hbm>>
    %dma_start3A_415 = arith.constant 0 : i32
    %dma_start3A_416 = tpu.memref_slice %arg2[%add3A_412, %dma_start3A_415] : memref<320000x16xf32, #tpu.memory_space<hbm>> -> memref<400x16xf32, #tpu.memory_space<hbm>>
    tpu.enqueue_dma source(%dma_start3A_416 : memref<400x16xf32, #tpu.memory_space<hbm>>) target(%arg5 : memref<400x16xf32, #tpu.memory_space<vmem>>) target_semaphore(%arg7 : memref<!tpu.dma_semaphore, #tpu.memory_space<semaphore_mem>>)
    %add3A_417 = arith.constant 8000 : i32
    %add3A_418 = arith.addi %mul3A_2, %add3A_417 : i32
    %dma_start3A_419 = arith.constant 0 : i32
    %dma_start3A_420 = tpu.memref_slice %arg3[%add3A_418, %dma_start3A_419] : memref<320000x16xf32, #tpu.memory_space<hbm>> -> memref<400x16xf32, #tpu.memory_space<hbm>>
    %dma_start3A_421 = arith.constant 0 : i32
    %dma_start3A_422 = tpu.memref_slice %arg3[%add3A_418, %dma_start3A_421] : memref<320000x16xf32, #tpu.memory_space<hbm>> -> memref<400x16xf32, #tpu.memory_space<hbm>>
    tpu.enqueue_dma source(%arg4 : memref<400x16xf32, #tpu.memory_space<vmem>>) target(%dma_start3A_422 : memref<400x16xf32, #tpu.memory_space<hbm>>) target_semaphore(%arg8 : memref<!tpu.dma_semaphore, #tpu.memory_space<semaphore_mem>>)
    %dma_wait3A_423 = arith.constant 0 : i32
    %dma_wait3A_424 = tpu.memref_slice %arg2[%add3A_412, %dma_wait3A_423] : memref<320000x16xf32, #tpu.memory_space<hbm>> -> memref<400x16xf32, #tpu.memory_space<hbm>>
    %dma_wait3A_425 = arith.constant 0 : i32
    %dma_wait3A_426 = tpu.memref_slice %arg2[%add3A_412, %dma_wait3A_425] : memref<320000x16xf32, #tpu.memory_space<hbm>> -> memref<400x16xf32, #tpu.memory_space<hbm>>
    tpu.wait_dma2 semaphore(%arg7 : memref<!tpu.dma_semaphore, #tpu.memory_space<semaphore_mem>>) src(%dma_wait3A_426 : memref<400x16xf32, #tpu.memory_space<hbm>>) dst(%arg5 : memref<400x16xf32, #tpu.memory_space<vmem>>)
    %dma_wait3A_427 = arith.constant 0 : i32
    %dma_wait3A_428 = tpu.memref_slice %arg3[%add3A_418, %dma_wait3A_427] : memref<320000x16xf32, #tpu.memory_space<hbm>> -> memref<400x16xf32, #tpu.memory_space<hbm>>
    %dma_wait3A_429 = arith.constant 0 : i32
    %dma_wait3A_430 = tpu.memref_slice %arg3[%add3A_418, %dma_wait3A_429] : memref<320000x16xf32, #tpu.memory_space<hbm>> -> memref<400x16xf32, #tpu.memory_space<hbm>>
    tpu.wait_dma2 semaphore(%arg8 : memref<!tpu.dma_semaphore, #tpu.memory_space<semaphore_mem>>) src(%arg4 : memref<400x16xf32, #tpu.memory_space<vmem>>) dst(%dma_wait3A_430 : memref<400x16xf32, #tpu.memory_space<hbm>>)
    %add3A_431 = arith.constant 8800 : i32
    %add3A_432 = arith.addi %mul3A_2, %add3A_431 : i32
    %dma_start3A_433 = arith.constant 0 : i32
    %dma_start3A_434 = tpu.memref_slice %arg2[%add3A_432, %dma_start3A_433] : memref<320000x16xf32, #tpu.memory_space<hbm>> -> memref<400x16xf32, #tpu.memory_space<hbm>>
    %dma_start3A_435 = arith.constant 0 : i32
    %dma_start3A_436 = tpu.memref_slice %arg2[%add3A_432, %dma_start3A_435] : memref<320000x16xf32, #tpu.memory_space<hbm>> -> memref<400x16xf32, #tpu.memory_space<hbm>>
    tpu.enqueue_dma source(%dma_start3A_436 : memref<400x16xf32, #tpu.memory_space<hbm>>) target(%arg4 : memref<400x16xf32, #tpu.memory_space<vmem>>) target_semaphore(%arg6 : memref<!tpu.dma_semaphore, #tpu.memory_space<semaphore_mem>>)
    %add3A_437 = arith.constant 8400 : i32
    %add3A_438 = arith.addi %mul3A_2, %add3A_437 : i32
    %dma_start3A_439 = arith.constant 0 : i32
    %dma_start3A_440 = tpu.memref_slice %arg3[%add3A_438, %dma_start3A_439] : memref<320000x16xf32, #tpu.memory_space<hbm>> -> memref<400x16xf32, #tpu.memory_space<hbm>>
    %dma_start3A_441 = arith.constant 0 : i32
    %dma_start3A_442 = tpu.memref_slice %arg3[%add3A_438, %dma_start3A_441] : memref<320000x16xf32, #tpu.memory_space<hbm>> -> memref<400x16xf32, #tpu.memory_space<hbm>>
    tpu.enqueue_dma source(%arg5 : memref<400x16xf32, #tpu.memory_space<vmem>>) target(%dma_start3A_442 : memref<400x16xf32, #tpu.memory_space<hbm>>) target_semaphore(%arg9 : memref<!tpu.dma_semaphore, #tpu.memory_space<semaphore_mem>>)
    %dma_wait3A_443 = arith.constant 0 : i32
    %dma_wait3A_444 = tpu.memref_slice %arg2[%add3A_432, %dma_wait3A_443] : memref<320000x16xf32, #tpu.memory_space<hbm>> -> memref<400x16xf32, #tpu.memory_space<hbm>>
    %dma_wait3A_445 = arith.constant 0 : i32
    %dma_wait3A_446 = tpu.memref_slice %arg2[%add3A_432, %dma_wait3A_445] : memref<320000x16xf32, #tpu.memory_space<hbm>> -> memref<400x16xf32, #tpu.memory_space<hbm>>
    tpu.wait_dma2 semaphore(%arg6 : memref<!tpu.dma_semaphore, #tpu.memory_space<semaphore_mem>>) src(%dma_wait3A_446 : memref<400x16xf32, #tpu.memory_space<hbm>>) dst(%arg4 : memref<400x16xf32, #tpu.memory_space<vmem>>)
    %dma_wait3A_447 = arith.constant 0 : i32
    %dma_wait3A_448 = tpu.memref_slice %arg3[%add3A_438, %dma_wait3A_447] : memref<320000x16xf32, #tpu.memory_space<hbm>> -> memref<400x16xf32, #tpu.memory_space<hbm>>
    %dma_wait3A_449 = arith.constant 0 : i32
    %dma_wait3A_450 = tpu.memref_slice %arg3[%add3A_438, %dma_wait3A_449] : memref<320000x16xf32, #tpu.memory_space<hbm>> -> memref<400x16xf32, #tpu.memory_space<hbm>>
    tpu.wait_dma2 semaphore(%arg9 : memref<!tpu.dma_semaphore, #tpu.memory_space<semaphore_mem>>) src(%arg5 : memref<400x16xf32, #tpu.memory_space<vmem>>) dst(%dma_wait3A_450 : memref<400x16xf32, #tpu.memory_space<hbm>>)
    %add3A_451 = arith.constant 9200 : i32
    %add3A_452 = arith.addi %mul3A_2, %add3A_451 : i32
    %dma_start3A_453 = arith.constant 0 : i32
    %dma_start3A_454 = tpu.memref_slice %arg2[%add3A_452, %dma_start3A_453] : memref<320000x16xf32, #tpu.memory_space<hbm>> -> memref<400x16xf32, #tpu.memory_space<hbm>>
    %dma_start3A_455 = arith.constant 0 : i32
    %dma_start3A_456 = tpu.memref_slice %arg2[%add3A_452, %dma_start3A_455] : memref<320000x16xf32, #tpu.memory_space<hbm>> -> memref<400x16xf32, #tpu.memory_space<hbm>>
    tpu.enqueue_dma source(%dma_start3A_456 : memref<400x16xf32, #tpu.memory_space<hbm>>) target(%arg5 : memref<400x16xf32, #tpu.memory_space<vmem>>) target_semaphore(%arg7 : memref<!tpu.dma_semaphore, #tpu.memory_space<semaphore_mem>>)
    %add3A_457 = arith.constant 8800 : i32
    %add3A_458 = arith.addi %mul3A_2, %add3A_457 : i32
    %dma_start3A_459 = arith.constant 0 : i32
    %dma_start3A_460 = tpu.memref_slice %arg3[%add3A_458, %dma_start3A_459] : memref<320000x16xf32, #tpu.memory_space<hbm>> -> memref<400x16xf32, #tpu.memory_space<hbm>>
    %dma_start3A_461 = arith.constant 0 : i32
    %dma_start3A_462 = tpu.memref_slice %arg3[%add3A_458, %dma_start3A_461] : memref<320000x16xf32, #tpu.memory_space<hbm>> -> memref<400x16xf32, #tpu.memory_space<hbm>>
    tpu.enqueue_dma source(%arg4 : memref<400x16xf32, #tpu.memory_space<vmem>>) target(%dma_start3A_462 : memref<400x16xf32, #tpu.memory_space<hbm>>) target_semaphore(%arg8 : memref<!tpu.dma_semaphore, #tpu.memory_space<semaphore_mem>>)
    %dma_wait3A_463 = arith.constant 0 : i32
    %dma_wait3A_464 = tpu.memref_slice %arg2[%add3A_452, %dma_wait3A_463] : memref<320000x16xf32, #tpu.memory_space<hbm>> -> memref<400x16xf32, #tpu.memory_space<hbm>>
    %dma_wait3A_465 = arith.constant 0 : i32
    %dma_wait3A_466 = tpu.memref_slice %arg2[%add3A_452, %dma_wait3A_465] : memref<320000x16xf32, #tpu.memory_space<hbm>> -> memref<400x16xf32, #tpu.memory_space<hbm>>
    tpu.wait_dma2 semaphore(%arg7 : memref<!tpu.dma_semaphore, #tpu.memory_space<semaphore_mem>>) src(%dma_wait3A_466 : memref<400x16xf32, #tpu.memory_space<hbm>>) dst(%arg5 : memref<400x16xf32, #tpu.memory_space<vmem>>)
    %dma_wait3A_467 = arith.constant 0 : i32
    %dma_wait3A_468 = tpu.memref_slice %arg3[%add3A_458, %dma_wait3A_467] : memref<320000x16xf32, #tpu.memory_space<hbm>> -> memref<400x16xf32, #tpu.memory_space<hbm>>
    %dma_wait3A_469 = arith.constant 0 : i32
    %dma_wait3A_470 = tpu.memref_slice %arg3[%add3A_458, %dma_wait3A_469] : memref<320000x16xf32, #tpu.memory_space<hbm>> -> memref<400x16xf32, #tpu.memory_space<hbm>>
    tpu.wait_dma2 semaphore(%arg8 : memref<!tpu.dma_semaphore, #tpu.memory_space<semaphore_mem>>) src(%arg4 : memref<400x16xf32, #tpu.memory_space<vmem>>) dst(%dma_wait3A_470 : memref<400x16xf32, #tpu.memory_space<hbm>>)
    %add3A_471 = arith.constant 9600 : i32
    %add3A_472 = arith.addi %mul3A_2, %add3A_471 : i32
    %dma_start3A_473 = arith.constant 0 : i32
    %dma_start3A_474 = tpu.memref_slice %arg2[%add3A_472, %dma_start3A_473] : memref<320000x16xf32, #tpu.memory_space<hbm>> -> memref<400x16xf32, #tpu.memory_space<hbm>>
    %dma_start3A_475 = arith.constant 0 : i32
    %dma_start3A_476 = tpu.memref_slice %arg2[%add3A_472, %dma_start3A_475] : memref<320000x16xf32, #tpu.memory_space<hbm>> -> memref<400x16xf32, #tpu.memory_space<hbm>>
    tpu.enqueue_dma source(%dma_start3A_476 : memref<400x16xf32, #tpu.memory_space<hbm>>) target(%arg4 : memref<400x16xf32, #tpu.memory_space<vmem>>) target_semaphore(%arg6 : memref<!tpu.dma_semaphore, #tpu.memory_space<semaphore_mem>>)
    %add3A_477 = arith.constant 9200 : i32
    %add3A_478 = arith.addi %mul3A_2, %add3A_477 : i32
    %dma_start3A_479 = arith.constant 0 : i32
    %dma_start3A_480 = tpu.memref_slice %arg3[%add3A_478, %dma_start3A_479] : memref<320000x16xf32, #tpu.memory_space<hbm>> -> memref<400x16xf32, #tpu.memory_space<hbm>>
    %dma_start3A_481 = arith.constant 0 : i32
    %dma_start3A_482 = tpu.memref_slice %arg3[%add3A_478, %dma_start3A_481] : memref<320000x16xf32, #tpu.memory_space<hbm>> -> memref<400x16xf32, #tpu.memory_space<hbm>>
    tpu.enqueue_dma source(%arg5 : memref<400x16xf32, #tpu.memory_space<vmem>>) target(%dma_start3A_482 : memref<400x16xf32, #tpu.memory_space<hbm>>) target_semaphore(%arg9 : memref<!tpu.dma_semaphore, #tpu.memory_space<semaphore_mem>>)
    %dma_wait3A_483 = arith.constant 0 : i32
    %dma_wait3A_484 = tpu.memref_slice %arg2[%add3A_472, %dma_wait3A_483] : memref<320000x16xf32, #tpu.memory_space<hbm>> -> memref<400x16xf32, #tpu.memory_space<hbm>>
    %dma_wait3A_485 = arith.constant 0 : i32
    %dma_wait3A_486 = tpu.memref_slice %arg2[%add3A_472, %dma_wait3A_485] : memref<320000x16xf32, #tpu.memory_space<hbm>> -> memref<400x16xf32, #tpu.memory_space<hbm>>
    tpu.wait_dma2 semaphore(%arg6 : memref<!tpu.dma_semaphore, #tpu.memory_space<semaphore_mem>>) src(%dma_wait3A_486 : memref<400x16xf32, #tpu.memory_space<hbm>>) dst(%arg4 : memref<400x16xf32, #tpu.memory_space<vmem>>)
    %add3A_487 = arith.constant 9600 : i32
    %add3A_488 = arith.addi %mul3A_2, %add3A_487 : i32
    %dma_start3A_489 = arith.constant 0 : i32
    %dma_start3A_490 = tpu.memref_slice %arg3[%add3A_488, %dma_start3A_489] : memref<320000x16xf32, #tpu.memory_space<hbm>> -> memref<400x16xf32, #tpu.memory_space<hbm>>
    %dma_start3A_491 = arith.constant 0 : i32
    %dma_start3A_492 = tpu.memref_slice %arg3[%add3A_488, %dma_start3A_491] : memref<320000x16xf32, #tpu.memory_space<hbm>> -> memref<400x16xf32, #tpu.memory_space<hbm>>
    tpu.enqueue_dma source(%arg4 : memref<400x16xf32, #tpu.memory_space<vmem>>) target(%dma_start3A_492 : memref<400x16xf32, #tpu.memory_space<hbm>>) target_semaphore(%arg8 : memref<!tpu.dma_semaphore, #tpu.memory_space<semaphore_mem>>)
    %dma_wait3A_493 = arith.constant 0 : i32
    %dma_wait3A_494 = tpu.memref_slice %arg3[%add3A_478, %dma_wait3A_493] : memref<320000x16xf32, #tpu.memory_space<hbm>> -> memref<400x16xf32, #tpu.memory_space<hbm>>
    %dma_wait3A_495 = arith.constant 0 : i32
    %dma_wait3A_496 = tpu.memref_slice %arg3[%add3A_478, %dma_wait3A_495] : memref<320000x16xf32, #tpu.memory_space<hbm>> -> memref<400x16xf32, #tpu.memory_space<hbm>>
    tpu.wait_dma2 semaphore(%arg9 : memref<!tpu.dma_semaphore, #tpu.memory_space<semaphore_mem>>) src(%arg5 : memref<400x16xf32, #tpu.memory_space<vmem>>) dst(%dma_wait3A_496 : memref<400x16xf32, #tpu.memory_space<hbm>>)
    %dma_wait3A_497 = arith.constant 0 : i32
    %dma_wait3A_498 = tpu.memref_slice %arg3[%add3A_488, %dma_wait3A_497] : memref<320000x16xf32, #tpu.memory_space<hbm>> -> memref<400x16xf32, #tpu.memory_space<hbm>>
    %dma_wait3A_499 = arith.constant 0 : i32
    %dma_wait3A_500 = tpu.memref_slice %arg3[%add3A_488, %dma_wait3A_499] : memref<320000x16xf32, #tpu.memory_space<hbm>> -> memref<400x16xf32, #tpu.memory_space<hbm>>
    tpu.wait_dma2 semaphore(%arg8 : memref<!tpu.dma_semaphore, #tpu.memory_space<semaphore_mem>>) src(%arg4 : memref<400x16xf32, #tpu.memory_space<vmem>>) dst(%dma_wait3A_500 : memref<400x16xf32, #tpu.memory_space<hbm>>)
    return
  }
}

</mosaic_0001>

<sc_bundles>
// kernel: kernel.3.cloned.1.call-start
scs
__scs_entry_jumppad:
0x0: {  	(pc) =	sbr.rel $0x88, $3  }
0x1: {  	(tag) =	ssettag $0x0;
	lr =	simm.s32 $0x1  }
0x2: {  	[smem:$0x3F9C] =	sst lr;
	_ =	strace $0xD0000000  }
0x3: {  	_ = 	snop  }
0x4: {  	_ = 	snop  }
0x5: {  	_ = 	snop  }
0x6: {  	_ = 	snop  }
0x7: {  	_ = 	snop  }
__scs_overlays_trampoline_lowered:
0x8: {  	[smem:$0x3FAB] =	sst s0  }
0x9: {  	[smem:$0x3FAC] =	sst s1  }
0xa: {  	[smem:$0x3FAD] =	sst s2  }
0xb: {  	[smem:$0x3FAE] =	sst s3  }
0xc: {  	[smem:$0x3FAF] =	sst s4  }
0xd: {  	[smem:$0x3FB0] =	sst s5  }
0xe: {  	[smem:$0x3FB1] =	sst s6  }
0xf: {  	[smem:$0x3FB2] =	sst s7  }
0x10: {  	[smem:$0x3FB3] =	sst s8  }
0x11: {  	[smem:$0x3FB4] =	sst s9;
	s0 =	simm.s32 @!p0 $0x0  }
0x12: {  	s1 =	sld [smem:$0x3F9A];
	s0 =	simm.s32 @p0 $0x1  }
0x13: {  	[smem:$0x3FB5] =	sst s0;
	s0 =	simm.s32 @!p1 $0x0  }
0x14: {  	s2 =	sld [smem:$0x3F99];
	s0 =	simm.s32 @p1 $0x1  }
0x15: {  	[smem:$0x3FB6] =	sst s0;
	s0 =	simm.s32 @!p2 $0x0  }
0x16: {  	s3 =	sld [smem:$0x3FDB];
	s0 =	simm.s32 @p2 $0x1  }
0x17: {  	s4 =	simm.s32 $0x1BF5;
	[smem:$0x3FB8] =	sst s0  }
0x18: {  	s0 =	sld [smem:$0x3F9B];
	_ =	swait.ge [sflag:s4], $0x0  }
0x19: {  	s7 =	sld [smem:$0x3F9C]  }
0x1a: {  	s8 =	sadd.s32 $0xFFFFE003, lr  }
0x1b: {  	s9 =	sadd.s32 $0xFFFFFEF7, lr;
	s5 =	simm.s32 $0xFFFFFFFF;
	p2 =	slt.u32 s8, $0xFFFFF086  }
0x1c: {  	p1 =	slt.u32 s9, $0xF7A;
	s5 =	simm.s32 @!p2 $0x0  }
0x1d: {  	s5 =	simm.s32 @p1 $0x1;
	p0 =	seq.s32 s7, s2  }
0x1e: {  	s7 =	smul.u32 @!p0 $0xF7A, s2;
	p2 =	seq.s32 @!p0 s5, $0x0  }
0x1f: {  	s9 =	smul.u32 $0xF7A, s1;
	s8 =	simm.s32 @!p0 $0x1BF5;
	p2 =	por !p2, p0  }
0x20: {  	[sflag:s8] =	ssyncset.s32 @!p0 $0xFFFFF086;
	s6 =	sadd.s32 @!p0 s3, s7;
	s7 =	simm.s32 @!p0 $0x108  }
0x21: {  	s3 =	sadd.s32 s3, s9;
	s6 =	sadd.s32 @!p0 $0x88, s6;
	s7 =	simm.s32 @p2 $0x1082  }
0x22: {  	[simem:s7], [sflag:s8] =	dma.local @!p0 [hbm:s6], $0xF7A  }
0x23: {  	s9 =	sor.u32 $0xD0000000, s2;
	s6 =	simm.s32 $0x108;
	_ =	swait.ge @!p0 [sflag:s8], $0x0  }
0x24: {  	s3 =	sadd.s32 $0x88, s3;
	s6 =	simm.s32 @!p1 $0x1082;
	[sflag:s4] =	ssyncset.s32 $0xFFFFF086  }
0x25: {  	[simem:s6], [sflag:s4] =	dma.local [hbm:s3], $0xF7A  }
0x26: {  	[smem:$0x3F9C] =	sst s1;
	(tag) =	ssettag s2;
	_ =	strace s9  }
0x27: {  	s1 =	sld [smem:$0x3FAC]  }
0x28: {  	s2 =	sld [smem:$0x3FAD]  }
0x29: {  	s4 =	sld [smem:$0x3FAF]  }
0x2a: {  	p0 =	seq.s32 s5, $0x0;
	s5 =	sld [smem:$0x3FB0]  }
0x2b: {  	s6 =	sld [smem:$0x3FB1]  }
0x2c: {  	s7 =	sld [smem:$0x3FB2]  }
0x2d: {  	s3 =	simm.s32 $0x108;
	s8 =	sld [smem:$0x3FB3]  }
0x2e: {  	s3 =	simm.s32 @!p0 $0x1082;
	s9 =	sld [smem:$0x3FB4]  }
0x2f: {  	lr =	sadd.s32 s0, s3;
	s0 =	sld [smem:$0x3FAB]  }
0x30: {  	s3 =	sld [smem:$0x3FAE]  }
0x31: {  	[smem:$0x3FB7] =	sst s10  }
0x32: {  	s10 =	sld [smem:$0x3FB5];
	_ =	sdelay $0x3  }
0x33: {  	p0 =	seq.s32 s10, $0x1;
	s10 =	sld [smem:$0x3FB7];
	_ =	sdelay $0x3  }
0x34: {  	[smem:$0x3FB7] =	sst s10  }
0x35: {  	s10 =	sld [smem:$0x3FB6];
	_ =	sdelay $0x3  }
0x36: {  	p1 =	seq.s32 s10, $0x1;
	s10 =	sld [smem:$0x3FB7];
	_ =	sdelay $0x3  }
0x37: {  	[smem:$0x3FB7] =	sst s10  }
0x38: {  	s10 =	sld [smem:$0x3FB8]  }
0x39: {  	_ = 	snop;
	(pc) =	sbr.ind lr, $3  }
0x3a: {  	_ = 	snop  }
0x3b: {  	_ = 	snop  }
0x3c: {  	p2 =	seq.s32 s10, $0x1;
	s10 =	sld [smem:$0x3FB7]  }
0x3d: {  	_ =	shalt  }
0x3e: {  	_ =	shalt  }
0x3f: {  	_ =	shalt  }
0x40: {  	_ =	shalt  }
0x41: {  	_ =	shalt  }
0x42: {  	_ =	shalt  }
0x43: {  	_ =	shalt  }
0x44: {  	_ =	shalt  }
0x45: {  	_ =	shalt  }
0x46: {  	_ =	shalt  }
0x47: {  	_ =	shalt  }
0x48: {  	_ =	shalt  }
0x49: {  	_ =	shalt  }
0x4a: {  	_ =	shalt  }
0x4b: {  	_ =	shalt  }
0x4c: {  	_ =	shalt  }
0x4d: {  	_ =	shalt  }
0x4e: {  	_ =	shalt  }
0x4f: {  	_ =	shalt  }
0x50: {  	_ =	shalt  }
0x51: {  	_ =	shalt  }
0x52: {  	_ =	shalt  }
0x53: {  	_ =	shalt  }
0x54: {  	_ =	shalt  }
0x55: {  	_ =	shalt  }
0x56: {  	_ =	shalt  }
0x57: {  	_ =	shalt  }
0x58: {  	_ =	shalt  }
0x59: {  	_ =	shalt  }
0x5a: {  	_ =	shalt  }
0x5b: {  	_ =	shalt  }
0x5c: {  	_ =	shalt  }
0x5d: {  	_ =	shalt  }
0x5e: {  	_ =	shalt  }
0x5f: {  	_ =	shalt  }
0x60: {  	_ =	shalt  }
0x61: {  	_ =	shalt  }
0x62: {  	_ =	shalt  }
0x63: {  	_ =	shalt  }
0x64: {  	_ =	shalt  }
0x65: {  	_ =	shalt  }
0x66: {  	_ =	shalt  }
0x67: {  	_ =	shalt  }
0x68: {  	_ =	shalt  }
0x69: {  	_ =	shalt  }
0x6a: {  	_ =	shalt  }
0x6b: {  	_ =	shalt  }
0x6c: {  	_ =	shalt  }
0x6d: {  	_ =	shalt  }
0x6e: {  	_ =	shalt  }
0x6f: {  	_ =	shalt  }
0x70: {  	_ =	shalt  }
0x71: {  	_ =	shalt  }
0x72: {  	_ =	shalt  }
0x73: {  	_ =	shalt  }
0x74: {  	_ =	shalt  }
0x75: {  	_ =	shalt  }
0x76: {  	_ =	shalt  }
0x77: {  	_ =	shalt  }
0x78: {  	_ =	shalt  }
0x79: {  	_ =	shalt  }
0x7a: {  	_ =	shalt  }
0x7b: {  	_ =	shalt  }
0x7c: {  	_ =	shalt  }
0x7d: {  	_ =	shalt  }
0x7e: {  	_ =	shalt  }
0x7f: {  	_ =	shalt  }
0x80: {  	_ =	shalt  }
0x81: {  	_ =	shalt  }
0x82: {  	_ =	shalt  }
0x83: {  	_ =	shalt  }
0x84: {  	_ =	shalt  }
0x85: {  	_ =	shalt  }
0x86: {  	_ =	shalt  }
0x87: {  	_ =	shalt  }
.Lfunc_end0:
.L_simem_size_0:
called_computation_lowered:
.L_overlay_start_0:
0x88: {  	s2 =	sld [smem:$0x3FD9]  }
0x89: {  	s3 =	sld [smem:$0x3FFE];
	_ =	sdelay $0x1  }
0x8a: {  	s1 =	srdreg.scid  }
0x8b: {  	s0 =	sand.u32 $0x1, s1  }
0x8c: {  	s16 =	sshll.u32 s0, $0xA;
	s2 =	sadd.s32 s3, s2  }
0x8d: {  	s2 =	sadd.s32 s2, s16  }
0x8e: {  	[smem:$0x3FC3] =	sst s2  }
0x8f: {  	_ = 	snop  }
0x90: {  	(tm) =	ssettm $0x1  }
0x91: {  	s17 =	sld [smem:$0x3FFB];
	_ =	sdelay $0x3  }
0x92: {  	_ =	strace s17  }
0x93: {  	s2 =	sld [smem:$0x3FFC];
	_ =	sdelay $0x3  }
0x94: {  	_ =	strace s2  }
0x95: {  	s2 =	sld [smem:$0x3FFD];
	_ =	sdelay $0x3  }
0x96: {  	_ =	strace s2  }
0x97: {  	_ =	strace $0x8FFFFFFF  }
0x98: {  	s18 =	sld [smem:$0x3FDB];
	_ =	sdelay $0x1  }
0x99: {  	s19 =	simm.s32 $_scs_section_size  }
0x9a: {  	s4 =	simm.s32 $_size__tile_overlayer_lowered;
	s5 =	simm.s32 $_tile_overlayer_lowered  }
0x9b: {  	s22 =	simm.s32 $0x1BFF;
	s21 =	sshll.u32 s5, $0x1;
	s2 =	sadd.s32 s19, s18  }
0x9c: {  	s6 =	simm.s32 $0x0;
	s20 =	sshll.u32 s4, $0x1;
	s4 =	sadd.s32 s21, s2  }
0x9d: {  	[timem:s6], [sflag:s22] =	dma.local [hbm:s4], s20  }
0x9e: {  	_ =	swait.ge [sflag:s22], s20  }
0x9f: {  	s3 =	ssub.s32 $0x0, s20;
	[sflag:s22] =	ssyncset.done $0x0  }
0xa0: {  	[sflag:s22] =	ssyncadd.s32 s3;
	_ =	sdelay $0x1  }
0xa1: {  	s23 =	simm.s32 $0x1B8B  }
0xa2: {  	_ =	swait.ge [sflag:s23], $0x1  }
0xa3: {  	[sflag:s23] =	ssyncset.done $0x0  }
0xa4: {  	s25 =	simm.s32 $0x1B8E;
	s24 =	sld [smem:$0x3FFE];
	[sflag:s23] =	ssyncadd.s32 $0xFFFFFFFF  }
0xa5: {  	s26 =	simm.s32 $execute0_lowered;
	[smem:$0x3FD2] =	sst s25  }
0xa6: {  	s4 =	sshll.u32 s26, $0x1;
	_ =	strace $0x80000046;
	[dreg:$0x1] =	wrdreg $0xFFFFFFFF  }
0xa7: {  	s28 =	simm.s32 $_size_execute0_lowered;
	s2 =	sadd.s32 s2, s4;
	[dreg:$0x0] =	wrdreg $0x0  }
0xa8: {  	s4 =	sshll.u32 s28, $0x1;
	[dreg:$0x2] =	wrdreg s2  }
0xa9: {  	[dreg:$0x3] =	wrdreg s4  }
0xaa: {  	[dreg:$0x4] =	wrdreg $0xC0  }
0xab: {  	_ =	task [dreg:s6], $0x5FFFF  }
0xac: {  	[dreg:$0x1] =	wrdreg $0xFFFFFFFF  }
0xad: {  	[dreg:$0x0] =	wrdreg $0x60  }
0xae: {  	[dreg:$0x2] =	wrdreg s24  }
0xaf: {  	[dreg:$0x3] =	wrdreg $0x9  }
0xb0: {  	_ =	task.clear_ibuf [dreg:s6], $0x4FFFF;
	_ =	strace $0x90000046  }
0xb1: {  	s29 =	simm.s32 $0x9;
	_ =	strace $0x80000048  }
0xb2: {  	_ =	swait.ge [sflag:s29], $0x1  }
0xb3: {  	[sflag:s29] =	ssyncadd.s32 $0xFFFFFFFF  }
0xb4: {  	_ =	strace $0x90000048  }
0xb5: {  	_ =	sfence  }
0xb6: {  	s30 =	sld [smem:$0x0];
	_ =	sdelay $0x2  }
0xb7: {  	s31 =	sshll.u32 s1, $0xD;
	s1 =	sshrl.u32 s1, $0x2  }
0xb8: {  	s3 =	sand.u32 $0x4000, s31;
	s1 =	sadd.s32 s1, s30  }
0xb9: {  	s0 =	sor.u32 s3, s0;
	s1 =	sshll.u32 s1, $0x11  }
0xba: {  	s0 =	sor.u32 s1, s0  }
0xbb: {  	s0 =	sadd.s32 $0x8F2B, s0  }
0xbc: {  	[sflag:s0] =	ssyncadd.remote.s32 $0x1  }
0xbd: {  	_ =	sfence.sel $0xFFFF  }
0xbe: {  	[dreg:$0x0] =	wrdreg $0xFFFFFFFF;
	(pc) =	sbr.abs _section_cstart, $3  }
0xbf: {  	[dreg:$0x1] =	wrdreg $0xFFFFFFFF  }
0xc0: {  	_ =	task.clear_ibuf [dreg:s6], $0x2FFFF;
	_ =	strace $0x9FFFFFFF  }
0xc1: {  	(tm) =	ssettm $0x7FFFFFFF  }
tec
execute0_lowered:
.L_overlay_start_1:
0x0: {  	(tag) =	ssettag $0x1  }
0x1: {  	s0 =	srdreg.scid;
	s1 =	stileid.u32  }
0x2: {  	s5 =	sand.u32 $0x1, s0;
	s14 =	sshll.u32 s1, $0x1  }
0x3: {  	s0 =	sor.u32 s5, s14  }
0x4: {  	s4 =	smul.u32 $0x138800, s0  }
0x5: {  	s3 =	rddreg [dreg:$0x0];
	s2 =	simm.s32 $0x0;
	s0 =	smul.u32 $0x27100, s0  }
0x6: {  	[smem:$0x7FF] =	sst s2;
	s1 =	sadd.s32 $0xC00, s3  }
0x7: {  	s3 =	sadd.s32 $0x4E2C00, s3;
	_ =	strace $0x80000047;
	s6 =	sadd.s32 s1, s0  }
0x8: {  	s4 =	sshrl.u32 s4, $0x3;
	s0 =	sadd.s32 s3, s0;
	[dreg:$0x2] =	wrdreg s6  }
0x9: {  	s7 =	sadd.s32 $0x1900, s4;
	[dreg:$0x4] =	wrdreg s0  }
0xa: {  	s16 =	sadd.s32 $0x3200, s4;
	s15 =	sadd.s32 s1, s7;
	s0 =	rddreg [dreg:$0x2]  }
0xb: {  	s17 =	sadd.s32 s1, s16;
	[dreg:$0x3] =	wrdreg s15  }
0xc: {  	s19 =	sadd.s32 $0x4B00, s4;
	s18 =	sadd.s32 s3, s7;
	[dreg:$0x5] =	wrdreg s17  }
0xd: {  	s20 =	sadd.s32 s1, s19;
	[dreg:$0x6] =	wrdreg s18  }
0xe: {  	s22 =	sadd.s32 $0x6400, s4;
	s21 =	sadd.s32 s3, s16;
	[dreg:$0x7] =	wrdreg s20  }
0xf: {  	s23 =	sadd.s32 s1, s22;
	[dreg:$0x8] =	wrdreg s21  }
0x10: {  	s25 =	sadd.s32 $0x7D00, s4;
	s24 =	sadd.s32 s3, s19;
	[dreg:$0x9] =	wrdreg s23  }
0x11: {  	s26 =	sadd.s32 s1, s25;
	[dreg:$0xa] =	wrdreg s24  }
0x12: {  	s8 =	sadd.s32 $0x9600, s4;
	s6 =	sadd.s32 s3, s22;
	[dreg:$0xb] =	wrdreg s26  }
0x13: {  	p0 =	por $0x0, $0x0;
	s9 =	sadd.s32 s1, s8;
	[dreg:$0xc] =	wrdreg s6  }
0x14: {  	s11 =	sadd.s32 $0xAF00, s4;
	s10 =	sadd.s32 s3, s25;
	[dreg:$0xd] =	wrdreg s9  }
0x15: {  	s5 =	ssub.s32 $0x2, s5;
	s12 =	sadd.s32 s1, s11;
	[dreg:$0xe] =	wrdreg s10  }
0x16: {  	s14 =	sadd.s32 $0xC800, s4;
	s13 =	sadd.s32 s3, s8;
	[dreg:$0xf] =	wrdreg s12  }
0x17: {  	s16 =	sadd.s32 s3, s11;
	s19 =	sadd.s32 s3, s14;
	[dreg:$0x10] =	wrdreg s13  }
0x18: {  	s7 =	sadd.s32 $0x1F400, s4;
	s15 =	sadd.s32 s1, s14;
	[dreg:$0x12] =	wrdreg s16  }
0x19: {  	s17 =	sadd.s32 $0xE100, s4;
	s20 =	sadd.s32 $0xFA00, s4;
	[dreg:$0x14] =	wrdreg s19  }
0x1a: {  	s23 =	sadd.s32 $0x11300, s4;
	s26 =	sadd.s32 $0x12C00, s4;
	s10 =	sadd.s32 $0x14500, s4  }
0x1b: {  	s13 =	sadd.s32 $0x15E00, s4;
	s14 =	sadd.s32 $0x17700, s4;
	s16 =	sadd.s32 $0x1A900, s4  }
0x1c: {  	[dreg:$0x11] =	wrdreg s15;
	s18 =	sadd.s32 s1, s17;
	s21 =	sadd.s32 s1, s20  }
0x1d: {  	s22 =	sadd.s32 s3, s17;
	s24 =	sadd.s32 s1, s23;
	[dreg:$0x13] =	wrdreg s18  }
0x1e: {  	s25 =	sadd.s32 s3, s20;
	s8 =	sadd.s32 s1, s26;
	[dreg:$0x15] =	wrdreg s21  }
0x1f: {  	s9 =	sadd.s32 s3, s23;
	s11 =	sadd.s32 s1, s10;
	[dreg:$0x16] =	wrdreg s22  }
0x20: {  	s12 =	sadd.s32 s3, s26;
	s30 =	sadd.s32 s1, s13;
	[dreg:$0x17] =	wrdreg s24  }
0x21: {  	s31 =	sadd.s32 s3, s10;
	s28 =	sadd.s32 s1, s14;
	[dreg:$0x18] =	wrdreg s25  }
0x22: {  	s29 =	sadd.s32 s3, s13;
	s15 =	sadd.s32 $0x19000, s4;
	[dreg:$0x19] =	wrdreg s8  }
0x23: {  	s26 =	sadd.s32 s3, s14;
	s23 =	sadd.s32 s1, s16;
	[dreg:$0x1a] =	wrdreg s9  }
0x24: {  	s17 =	sadd.s32 $0x1C200, s4;
	s10 =	sadd.s32 $0x22600, s4;
	[dreg:$0x1b] =	wrdreg s11  }
0x25: {  	s8 =	sshrl.u32 s5, $0x1;
	[dreg:$0x1c] =	wrdreg s12;
	s25 =	sadd.s32 s1, s15  }
0x26: {  	s24 =	sadd.s32 s3, s15;
	s18 =	sadd.s32 $0x1DB00, s4;
	s21 =	sadd.s32 s1, s17  }
0x27: {  	s22 =	sadd.s32 s3, s16;
	s20 =	sadd.s32 s3, s17;
	s9 =	sadd.s32 $0x20D00, s4  }
0x28: {  	s17 =	sadd.s32 s1, s7;
	s16 =	sadd.s32 s3, s7;
	s8 =	ssub.s32 s5, s8  }
0x29: {  	s11 =	sadd.s32 $0x23F00, s4;
	s4 =	sadd.s32 $0x25800, s4;
	s14 =	smax.u32 s8, $0x1  }
0x2a: {  	s13 =	sadd.s32 s1, s10;
	s7 =	simm.s32 $0x1;
	p1 =	sne.s32 s14, $0x1  }
.Ltmp0:
0x2b: {  	s19 =	sadd.s32 s1, s18;
	s18 =	sadd.s32 s3, s18;
	(pc) =	sbr.rel @!p1 .LBB2_3-.Ltmp0, $4  }
0x2c: {  	s15 =	sadd.s32 s1, s9;
	s12 =	sadd.s32 s3, s9;
	s9 =	sadd.s32 s3, s10  }
0x2d: {  	s10 =	sadd.s32 s1, s11;
	s5 =	sadd.s32 s1, s4;
	s6 =	sadd.s32 s3, s11  }
0x2e: {  	s3 =	sadd.s32 s3, s4;
	s11 =	simm.s32 $0xC800;
	s4 =	simm.s32 $0x3  }
0x2f: {  	s8 =	simm.s32 $0x4;
	s1 =	sadd.s32 $0xFFFFFFFF, s14;
	s14 =	simm.s32 $0x2  }
0x30: {  	[tilespmem:s2], [sflag:$0x1] =	stream.linear.gather [hbm4b:s0+s2], $0xC800, $0x38;
	[tilespmem:$0x19000] =	vst v63  }
0x31: {  	_ =	swait.ge [sflag:s7], $0xC800  }
0x32: {  	[dreg:$0x1e] =	wrdreg s1;
	[sflag:s7] =	ssyncset.done $0x0  }
0x33: {  	s0 =	rddreg [dreg:$0x3];
	[sflag:s7] =	ssyncadd.s32 $0xFFFF3800  }
0x34: {  	[tilespmem:s11], [sflag:$0x2] =	stream.linear.gather [hbm4b:s0+s2], $0xC800, $0x38;
	[tilespmem:$0x19000] =	vst v63  }
0x35: {  	s1 =	rddreg [dreg:$0x4]  }
0x36: {  	[hbm4b:s1+s2] =	stream.linear.scatter [tilespmem:s2], [sflag:$0x3], $0xC800, $0x38;
	[tilespmem:$0x19000] =	vst v63  }
0x37: {  	_ =	swait.ge [sflag:s14], $0xC800  }
0x38: {  	[sflag:s14] =	ssyncset.done $0x0  }
0x39: {  	[sflag:s14] =	ssyncadd.s32 $0xFFFF3800  }
0x3a: {  	_ =	swait.ge [sflag:s4], $0xC800  }
0x3b: {  	[sflag:s4] =	ssyncset.done $0x0  }
0x3c: {  	s0 =	rddreg [dreg:$0x5];
	[sflag:s4] =	ssyncadd.s32 $0xFFFF3800  }
0x3d: {  	[tilespmem:s2], [sflag:$0x1] =	stream.linear.gather [hbm4b:s0+s2], $0xC800, $0x38;
	[tilespmem:$0x19000] =	vst v63  }
0x3e: {  	s1 =	rddreg [dreg:$0x6]  }
0x3f: {  	[hbm4b:s1+s2] =	stream.linear.scatter [tilespmem:s11], [sflag:$0x4], $0xC800, $0x38;
	[tilespmem:$0x19000] =	vst v63  }
0x40: {  	_ =	swait.ge [sflag:s7], $0xC800  }
0x41: {  	[sflag:s7] =	ssyncset.done $0x0  }
0x42: {  	[sflag:s7] =	ssyncadd.s32 $0xFFFF3800  }
0x43: {  	_ =	swait.ge [sflag:s8], $0xC800  }
0x44: {  	[sflag:s8] =	ssyncset.done $0x0  }
0x45: {  	s0 =	rddreg [dreg:$0x7];
	[sflag:s8] =	ssyncadd.s32 $0xFFFF3800  }
0x46: {  	[tilespmem:s11], [sflag:$0x2] =	stream.linear.gather [hbm4b:s0+s2], $0xC800, $0x38;
	[tilespmem:$0x19000] =	vst v63  }
0x47: {  	s1 =	rddreg [dreg:$0x8]  }
0x48: {  	[hbm4b:s1+s2] =	stream.linear.scatter [tilespmem:s2], [sflag:$0x3], $0xC800, $0x38;
	[tilespmem:$0x19000] =	vst v63  }
0x49: {  	_ =	swait.ge [sflag:s14], $0xC800  }
0x4a: {  	[sflag:s14] =	ssyncset.done $0x0  }
0x4b: {  	[sflag:s14] =	ssyncadd.s32 $0xFFFF3800  }
0x4c: {  	_ =	swait.ge [sflag:s4], $0xC800  }
0x4d: {  	[sflag:s4] =	ssyncset.done $0x0  }
0x4e: {  	s0 =	rddreg [dreg:$0x9];
	[sflag:s4] =	ssyncadd.s32 $0xFFFF3800  }
0x4f: {  	[tilespmem:s2], [sflag:$0x1] =	stream.linear.gather [hbm4b:s0+s2], $0xC800, $0x38;
	[tilespmem:$0x19000] =	vst v63  }
0x50: {  	s1 =	rddreg [dreg:$0xa]  }
0x51: {  	[hbm4b:s1+s2] =	stream.linear.scatter [tilespmem:s11], [sflag:$0x4], $0xC800, $0x38;
	[tilespmem:$0x19000] =	vst v63  }
0x52: {  	_ =	swait.ge [sflag:s7], $0xC800  }
0x53: {  	[sflag:s7] =	ssyncset.done $0x0  }
0x54: {  	[sflag:s7] =	ssyncadd.s32 $0xFFFF3800  }
0x55: {  	_ =	swait.ge [sflag:s8], $0xC800  }
0x56: {  	[sflag:s8] =	ssyncset.done $0x0  }
0x57: {  	s0 =	rddreg [dreg:$0xb];
	[sflag:s8] =	ssyncadd.s32 $0xFFFF3800  }
0x58: {  	[tilespmem:s11], [sflag:$0x2] =	stream.linear.gather [hbm4b:s0+s2], $0xC800, $0x38;
	[tilespmem:$0x19000] =	vst v63  }
0x59: {  	s1 =	rddreg [dreg:$0xc]  }
0x5a: {  	[hbm4b:s1+s2] =	stream.linear.scatter [tilespmem:s2], [sflag:$0x3], $0xC800, $0x38;
	[tilespmem:$0x19000] =	vst v63  }
0x5b: {  	_ =	swait.ge [sflag:s14], $0xC800  }
0x5c: {  	[sflag:s14] =	ssyncset.done $0x0  }
0x5d: {  	[sflag:s14] =	ssyncadd.s32 $0xFFFF3800  }
0x5e: {  	_ =	swait.ge [sflag:s4], $0xC800  }
0x5f: {  	[sflag:s4] =	ssyncset.done $0x0  }
0x60: {  	s0 =	rddreg [dreg:$0xd];
	[sflag:s4] =	ssyncadd.s32 $0xFFFF3800  }
0x61: {  	[tilespmem:s2], [sflag:$0x1] =	stream.linear.gather [hbm4b:s0+s2], $0xC800, $0x38;
	[tilespmem:$0x19000] =	vst v63  }
0x62: {  	s1 =	rddreg [dreg:$0xe]  }
0x63: {  	[hbm4b:s1+s2] =	stream.linear.scatter [tilespmem:s11], [sflag:$0x4], $0xC800, $0x38;
	[tilespmem:$0x19000] =	vst v63  }
0x64: {  	_ =	swait.ge [sflag:s7], $0xC800  }
0x65: {  	[sflag:s7] =	ssyncset.done $0x0  }
0x66: {  	[sflag:s7] =	ssyncadd.s32 $0xFFFF3800  }
0x67: {  	_ =	swait.ge [sflag:s8], $0xC800  }
0x68: {  	[sflag:s8] =	ssyncset.done $0x0  }
0x69: {  	s0 =	rddreg [dreg:$0xf];
	[sflag:s8] =	ssyncadd.s32 $0xFFFF3800  }
0x6a: {  	[tilespmem:s11], [sflag:$0x2] =	stream.linear.gather [hbm4b:s0+s2], $0xC800, $0x38;
	[tilespmem:$0x19000] =	vst v63  }
0x6b: {  	s1 =	rddreg [dreg:$0x10]  }
0x6c: {  	[hbm4b:s1+s2] =	stream.linear.scatter [tilespmem:s2], [sflag:$0x3], $0xC800, $0x38;
	[tilespmem:$0x19000] =	vst v63  }
0x6d: {  	_ =	swait.ge [sflag:s14], $0xC800  }
0x6e: {  	[sflag:s14] =	ssyncset.done $0x0  }
0x6f: {  	[sflag:s14] =	ssyncadd.s32 $0xFFFF3800  }
0x70: {  	_ =	swait.ge [sflag:s4], $0xC800  }
0x71: {  	[sflag:s4] =	ssyncset.done $0x0  }
0x72: {  	s0 =	rddreg [dreg:$0x11];
	[sflag:s4] =	ssyncadd.s32 $0xFFFF3800  }
0x73: {  	[tilespmem:s2], [sflag:$0x1] =	stream.linear.gather [hbm4b:s0+s2], $0xC800, $0x38;
	[tilespmem:$0x19000] =	vst v63  }
0x74: {  	s1 =	rddreg [dreg:$0x12]  }
0x75: {  	[hbm4b:s1+s2] =	stream.linear.scatter [tilespmem:s11], [sflag:$0x4], $0xC800, $0x38;
	[tilespmem:$0x19000] =	vst v63  }
0x76: {  	_ =	swait.ge [sflag:s7], $0xC800  }
0x77: {  	[sflag:s7] =	ssyncset.done $0x0  }
0x78: {  	[sflag:s7] =	ssyncadd.s32 $0xFFFF3800  }
0x79: {  	_ =	swait.ge [sflag:s8], $0xC800  }
0x7a: {  	[sflag:s8] =	ssyncset.done $0x0  }
0x7b: {  	s0 =	rddreg [dreg:$0x13];
	[sflag:s8] =	ssyncadd.s32 $0xFFFF3800  }
0x7c: {  	[tilespmem:s11], [sflag:$0x2] =	stream.linear.gather [hbm4b:s0+s2], $0xC800, $0x38;
	[tilespmem:$0x19000] =	vst v63  }
0x7d: {  	s1 =	rddreg [dreg:$0x14]  }
0x7e: {  	[hbm4b:s1+s2] =	stream.linear.scatter [tilespmem:s2], [sflag:$0x3], $0xC800, $0x38;
	[tilespmem:$0x19000] =	vst v63  }
0x7f: {  	_ =	swait.ge [sflag:s14], $0xC800  }
0x80: {  	[sflag:s14] =	ssyncset.done $0x0  }
0x81: {  	[sflag:s14] =	ssyncadd.s32 $0xFFFF3800  }
0x82: {  	_ =	swait.ge [sflag:s4], $0xC800  }
0x83: {  	[sflag:s4] =	ssyncset.done $0x0  }
0x84: {  	s0 =	rddreg [dreg:$0x15];
	[sflag:s4] =	ssyncadd.s32 $0xFFFF3800  }
0x85: {  	[tilespmem:s2], [sflag:$0x1] =	stream.linear.gather [hbm4b:s0+s2], $0xC800, $0x38;
	[tilespmem:$0x19000] =	vst v63  }
0x86: {  	s1 =	rddreg [dreg:$0x16]  }
0x87: {  	[hbm4b:s1+s2] =	stream.linear.scatter [tilespmem:s11], [sflag:$0x4], $0xC800, $0x38;
	[tilespmem:$0x19000] =	vst v63  }
0x88: {  	_ =	swait.ge [sflag:s7], $0xC800  }
0x89: {  	[sflag:s7] =	ssyncset.done $0x0  }
0x8a: {  	[sflag:s7] =	ssyncadd.s32 $0xFFFF3800  }
0x8b: {  	_ =	swait.ge [sflag:s8], $0xC800  }
0x8c: {  	[sflag:s8] =	ssyncset.done $0x0  }
0x8d: {  	s0 =	rddreg [dreg:$0x17];
	[sflag:s8] =	ssyncadd.s32 $0xFFFF3800  }
0x8e: {  	[tilespmem:s11], [sflag:$0x2] =	stream.linear.gather [hbm4b:s0+s2], $0xC800, $0x38;
	[tilespmem:$0x19000] =	vst v63  }
0x8f: {  	s1 =	rddreg [dreg:$0x18]  }
0x90: {  	[hbm4b:s1+s2] =	stream.linear.scatter [tilespmem:s2], [sflag:$0x3], $0xC800, $0x38;
	[tilespmem:$0x19000] =	vst v63  }
0x91: {  	_ =	swait.ge [sflag:s14], $0xC800  }
0x92: {  	[sflag:s14] =	ssyncset.done $0x0  }
0x93: {  	[sflag:s14] =	ssyncadd.s32 $0xFFFF3800  }
0x94: {  	_ =	swait.ge [sflag:s4], $0xC800  }
0x95: {  	[sflag:s4] =	ssyncset.done $0x0  }
0x96: {  	s0 =	rddreg [dreg:$0x19];
	[sflag:s4] =	ssyncadd.s32 $0xFFFF3800  }
0x97: {  	[tilespmem:s2], [sflag:$0x1] =	stream.linear.gather [hbm4b:s0+s2], $0xC800, $0x38;
	[tilespmem:$0x19000] =	vst v63  }
0x98: {  	s1 =	rddreg [dreg:$0x1a]  }
0x99: {  	[hbm4b:s1+s2] =	stream.linear.scatter [tilespmem:s11], [sflag:$0x4], $0xC800, $0x38;
	[tilespmem:$0x19000] =	vst v63  }
0x9a: {  	_ =	swait.ge [sflag:s7], $0xC800  }
0x9b: {  	[sflag:s7] =	ssyncset.done $0x0  }
0x9c: {  	[sflag:s7] =	ssyncadd.s32 $0xFFFF3800  }
0x9d: {  	_ =	swait.ge [sflag:s8], $0xC800  }
0x9e: {  	[sflag:s8] =	ssyncset.done $0x0  }
0x9f: {  	s0 =	rddreg [dreg:$0x1b];
	[sflag:s8] =	ssyncadd.s32 $0xFFFF3800  }
0xa0: {  	[tilespmem:s11], [sflag:$0x2] =	stream.linear.gather [hbm4b:s0+s2], $0xC800, $0x38;
	[tilespmem:$0x19000] =	vst v63  }
0xa1: {  	s1 =	rddreg [dreg:$0x1c]  }
0xa2: {  	[hbm4b:s1+s2] =	stream.linear.scatter [tilespmem:s2], [sflag:$0x3], $0xC800, $0x38;
	[tilespmem:$0x19000] =	vst v63  }
0xa3: {  	_ =	swait.ge [sflag:s14], $0xC800  }
0xa4: {  	[sflag:s14] =	ssyncset.done $0x0  }
0xa5: {  	[sflag:s14] =	ssyncadd.s32 $0xFFFF3800  }
0xa6: {  	_ =	swait.ge [sflag:s4], $0xC800  }
0xa7: {  	[sflag:s4] =	ssyncset.done $0x0  }
0xa8: {  	[sflag:s4] =	ssyncadd.s32 $0xFFFF3800  }
0xa9: {  	[tilespmem:s2], [sflag:$0x1] =	stream.linear.gather [hbm4b:s30+s2], $0xC800, $0x38;
	[tilespmem:$0x19000] =	vst v63  }
0xaa: {  	_ = 	snop  }
0xab: {  	[hbm4b:s31+s2] =	stream.linear.scatter [tilespmem:s11], [sflag:$0x4], $0xC800, $0x38;
	[tilespmem:$0x19000] =	vst v63  }
0xac: {  	_ =	swait.ge [sflag:s7], $0xC800  }
0xad: {  	[sflag:s7] =	ssyncset.done $0x0  }
0xae: {  	[sflag:s7] =	ssyncadd.s32 $0xFFFF3800  }
0xaf: {  	_ =	swait.ge [sflag:s8], $0xC800  }
0xb0: {  	[sflag:s8] =	ssyncset.done $0x0  }
0xb1: {  	[sflag:s8] =	ssyncadd.s32 $0xFFFF3800  }
0xb2: {  	[tilespmem:s11], [sflag:$0x2] =	stream.linear.gather [hbm4b:s28+s2], $0xC800, $0x38;
	[tilespmem:$0x19000] =	vst v63  }
0xb3: {  	_ = 	snop  }
0xb4: {  	[hbm4b:s29+s2] =	stream.linear.scatter [tilespmem:s2], [sflag:$0x3], $0xC800, $0x38;
	[tilespmem:$0x19000] =	vst v63  }
0xb5: {  	_ =	swait.ge [sflag:s14], $0xC800  }
0xb6: {  	[sflag:s14] =	ssyncset.done $0x0  }
0xb7: {  	[sflag:s14] =	ssyncadd.s32 $0xFFFF3800  }
0xb8: {  	_ =	swait.ge [sflag:s4], $0xC800  }
0xb9: {  	[sflag:s4] =	ssyncset.done $0x0  }
0xba: {  	[sflag:s4] =	ssyncadd.s32 $0xFFFF3800  }
0xbb: {  	[tilespmem:s2], [sflag:$0x1] =	stream.linear.gather [hbm4b:s25+s2], $0xC800, $0x38;
	[tilespmem:$0x19000] =	vst v63  }
0xbc: {  	_ = 	snop  }
0xbd: {  	[hbm4b:s26+s2] =	stream.linear.scatter [tilespmem:s11], [sflag:$0x4], $0xC800, $0x38;
	[tilespmem:$0x19000] =	vst v63  }
0xbe: {  	_ =	swait.ge [sflag:s7], $0xC800  }
0xbf: {  	[sflag:s7] =	ssyncset.done $0x0  }
0xc0: {  	[sflag:s7] =	ssyncadd.s32 $0xFFFF3800  }
0xc1: {  	_ =	swait.ge [sflag:s8], $0xC800  }
0xc2: {  	[sflag:s8] =	ssyncset.done $0x0  }
0xc3: {  	[sflag:s8] =	ssyncadd.s32 $0xFFFF3800  }
0xc4: {  	[tilespmem:s11], [sflag:$0x2] =	stream.linear.gather [hbm4b:s23+s2], $0xC800, $0x38;
	[tilespmem:$0x19000] =	vst v63  }
0xc5: {  	_ = 	snop  }
0xc6: {  	[hbm4b:s24+s2] =	stream.linear.scatter [tilespmem:s2], [sflag:$0x3], $0xC800, $0x38;
	[tilespmem:$0x19000] =	vst v63  }
0xc7: {  	_ =	swait.ge [sflag:s14], $0xC800  }
0xc8: {  	[sflag:s14] =	ssyncset.done $0x0  }
0xc9: {  	[sflag:s14] =	ssyncadd.s32 $0xFFFF3800  }
0xca: {  	_ =	swait.ge [sflag:s4], $0xC800  }
0xcb: {  	[sflag:s4] =	ssyncset.done $0x0  }
0xcc: {  	[sflag:s4] =	ssyncadd.s32 $0xFFFF3800  }
0xcd: {  	[tilespmem:s2], [sflag:$0x1] =	stream.linear.gather [hbm4b:s21+s2], $0xC800, $0x38;
	[tilespmem:$0x19000] =	vst v63  }
0xce: {  	_ = 	snop  }
0xcf: {  	[hbm4b:s22+s2] =	stream.linear.scatter [tilespmem:s11], [sflag:$0x4], $0xC800, $0x38;
	[tilespmem:$0x19000] =	vst v63  }
0xd0: {  	_ =	swait.ge [sflag:s7], $0xC800  }
0xd1: {  	[sflag:s7] =	ssyncset.done $0x0  }
0xd2: {  	[sflag:s7] =	ssyncadd.s32 $0xFFFF3800  }
0xd3: {  	_ =	swait.ge [sflag:s8], $0xC800  }
0xd4: {  	[sflag:s8] =	ssyncset.done $0x0  }
0xd5: {  	[sflag:s8] =	ssyncadd.s32 $0xFFFF3800  }
0xd6: {  	[tilespmem:s11], [sflag:$0x2] =	stream.linear.gather [hbm4b:s19+s2], $0xC800, $0x38;
	[tilespmem:$0x19000] =	vst v63  }
0xd7: {  	_ = 	snop  }
0xd8: {  	[hbm4b:s20+s2] =	stream.linear.scatter [tilespmem:s2], [sflag:$0x3], $0xC800, $0x38;
	[tilespmem:$0x19000] =	vst v63  }
0xd9: {  	_ =	swait.ge [sflag:s14], $0xC800  }
0xda: {  	[sflag:s14] =	ssyncset.done $0x0  }
0xdb: {  	[sflag:s14] =	ssyncadd.s32 $0xFFFF3800  }
0xdc: {  	_ =	swait.ge [sflag:s4], $0xC800  }
0xdd: {  	[sflag:s4] =	ssyncset.done $0x0  }
0xde: {  	[sflag:s4] =	ssyncadd.s32 $0xFFFF3800  }
0xdf: {  	[tilespmem:s2], [sflag:$0x1] =	stream.linear.gather [hbm4b:s17+s2], $0xC800, $0x38;
	[tilespmem:$0x19000] =	vst v63  }
0xe0: {  	_ = 	snop  }
0xe1: {  	[hbm4b:s18+s2] =	stream.linear.scatter [tilespmem:s11], [sflag:$0x4], $0xC800, $0x38;
	[tilespmem:$0x19000] =	vst v63  }
0xe2: {  	_ =	swait.ge [sflag:s7], $0xC800  }
0xe3: {  	[sflag:s7] =	ssyncset.done $0x0  }
0xe4: {  	[sflag:s7] =	ssyncadd.s32 $0xFFFF3800  }
0xe5: {  	_ =	swait.ge [sflag:s8], $0xC800  }
0xe6: {  	[sflag:s8] =	ssyncset.done $0x0  }
0xe7: {  	[sflag:s8] =	ssyncadd.s32 $0xFFFF3800  }
0xe8: {  	[tilespmem:s11], [sflag:$0x2] =	stream.linear.gather [hbm4b:s15+s2], $0xC800, $0x38;
	[tilespmem:$0x19000] =	vst v63  }
0xe9: {  	_ = 	snop  }
0xea: {  	[hbm4b:s16+s2] =	stream.linear.scatter [tilespmem:s2], [sflag:$0x3], $0xC800, $0x38;
	[tilespmem:$0x19000] =	vst v63  }
0xeb: {  	_ =	swait.ge [sflag:s14], $0xC800  }
0xec: {  	[sflag:s14] =	ssyncset.done $0x0  }
0xed: {  	[sflag:s14] =	ssyncadd.s32 $0xFFFF3800  }
0xee: {  	_ =	swait.ge [sflag:s4], $0xC800  }
0xef: {  	[sflag:s4] =	ssyncset.done $0x0  }
0xf0: {  	[sflag:s4] =	ssyncadd.s32 $0xFFFF3800  }
0xf1: {  	[tilespmem:s2], [sflag:$0x1] =	stream.linear.gather [hbm4b:s13+s2], $0xC800, $0x38;
	[tilespmem:$0x19000] =	vst v63  }
0xf2: {  	_ = 	snop  }
0xf3: {  	[hbm4b:s12+s2] =	stream.linear.scatter [tilespmem:s11], [sflag:$0x4], $0xC800, $0x38;
	[tilespmem:$0x19000] =	vst v63  }
0xf4: {  	_ =	swait.ge [sflag:s7], $0xC800  }
0xf5: {  	[sflag:s7] =	ssyncset.done $0x0  }
0xf6: {  	[sflag:s7] =	ssyncadd.s32 $0xFFFF3800  }
0xf7: {  	_ =	swait.ge [sflag:s8], $0xC800  }
0xf8: {  	[sflag:s8] =	ssyncset.done $0x0  }
0xf9: {  	[sflag:s8] =	ssyncadd.s32 $0xFFFF3800  }
0xfa: {  	[tilespmem:s11], [sflag:$0x2] =	stream.linear.gather [hbm4b:s10+s2], $0xC800, $0x38;
	[tilespmem:$0x19000] =	vst v63  }
0xfb: {  	_ = 	snop  }
0xfc: {  	[hbm4b:s9+s2] =	stream.linear.scatter [tilespmem:s2], [sflag:$0x3], $0xC800, $0x38;
	[tilespmem:$0x19000] =	vst v63  }
0xfd: {  	_ =	swait.ge [sflag:s14], $0xC800  }
0xfe: {  	[sflag:s14] =	ssyncset.done $0x0  }
0xff: {  	[sflag:s14] =	ssyncadd.s32 $0xFFFF3800  }
0x100: {  	_ =	swait.ge [sflag:s4], $0xC800  }
0x101: {  	[sflag:s4] =	ssyncset.done $0x0  }
0x102: {  	[sflag:s4] =	ssyncadd.s32 $0xFFFF3800  }
0x103: {  	[tilespmem:s2], [sflag:$0x1] =	stream.linear.gather [hbm4b:s5+s2], $0xC800, $0x38;
	[tilespmem:$0x19000] =	vst v63  }
0x104: {  	_ = 	snop  }
0x105: {  	[hbm4b:s6+s2] =	stream.linear.scatter [tilespmem:s11], [sflag:$0x4], $0xC800, $0x38;
	[tilespmem:$0x19000] =	vst v63  }
0x106: {  	_ =	swait.ge [sflag:s7], $0xC800  }
0x107: {  	[sflag:s7] =	ssyncset.done $0x0  }
0x108: {  	[sflag:s7] =	ssyncadd.s32 $0xFFFF3800  }
0x109: {  	[hbm4b:s3+s2] =	stream.linear.scatter [tilespmem:s2], [sflag:$0x3], $0xC800, $0x38;
	[tilespmem:$0x19000] =	vst v63  }
0x10a: {  	_ =	swait.ge [sflag:s8], $0xC800  }
0x10b: {  	s1 =	rddreg [dreg:$0x1e]  }
0x10c: {  	p1 =	sne.s32 s1, $0x1  }
.Ltmp1:
0x10d: {  	_ = 	snop;
	(pc) =	sbr.rel @!p1 .LBB2_3-.Ltmp1, $4  }
0x10e: {  	[sflag:s8] =	ssyncset.done $0x0  }
0x10f: {  	[sflag:s8] =	ssyncadd.s32 $0xFFFF3800  }
0x110: {  	p0 =	por $0x1, $0x1;
	_ =	swait.ge [sflag:s4], $0xC800;
	[dreg:$0x1d] =	wrdreg s31  }
0x111: {  	s1 =	sadd.s32 $0xFFFFFFFF, s1;
	s0 =	rddreg [dreg:$0x2];
	[sflag:s4] =	ssyncset.done $0x0  }
.LBB2_2:
0x112: {  	[sflag:s4] =	ssyncadd.s32 $0xFFFF3800  }
0x113: {  	s31 =	smov.u32 s30;
	s30 =	smov.u32 s29;
	s29 =	smov.u32 s28  }
0x114: {  	s28 =	smov.u32 s26;
	s26 =	smov.u32 s25;
	s25 =	smov.u32 s24  }
0x115: {  	s24 =	smov.u32 s23;
	s23 =	smov.u32 s22;
	s22 =	smov.u32 s21  }
0x116: {  	s21 =	smov.u32 s20;
	s20 =	smov.u32 s19;
	s19 =	smov.u32 s18  }
0x117: {  	s18 =	smov.u32 s17;
	s17 =	smov.u32 s16;
	s16 =	smov.u32 s15  }
0x118: {  	[tilespmem:s2], [sflag:$0x1] =	stream.linear.gather [hbm4b:s0+s2], $0xC800, $0x38;
	[tilespmem:$0x19000] =	vst v63  }
0x119: {  	s15 =	smov.u32 s13;
	s13 =	smov.u32 s12;
	_ =	swait.ge [sflag:s7], $0xC800  }
0x11a: {  	s12 =	smov.u32 s10;
	s10 =	smov.u32 s9;
	[sflag:s7] =	ssyncset.done $0x0  }
0x11b: {  	s9 =	smov.u32 s6;
	s0 =	rddreg [dreg:$0x3];
	[sflag:s7] =	ssyncadd.s32 $0xFFFF3800  }
0x11c: {  	[tilespmem:s11], [sflag:$0x2] =	stream.linear.gather [hbm4b:s0+s2], $0xC800, $0x38;
	[tilespmem:$0x19000] =	vst v63  }
0x11d: {  	s6 =	smov.u32 s5;
	s5 =	smov.u32 s3;
	s3 =	rddreg [dreg:$0x4]  }
0x11e: {  	[hbm4b:s3+s2] =	stream.linear.scatter [tilespmem:s2], [sflag:$0x3], $0xC800, $0x38;
	[tilespmem:$0x19000] =	vst v63  }
0x11f: {  	_ =	swait.ge [sflag:s14], $0xC800  }
0x120: {  	[sflag:s14] =	ssyncset.done $0x0  }
0x121: {  	[sflag:s14] =	ssyncadd.s32 $0xFFFF3800  }
0x122: {  	_ =	swait.ge [sflag:s4], $0xC800  }
0x123: {  	[sflag:s4] =	ssyncset.done $0x0  }
0x124: {  	s0 =	rddreg [dreg:$0x5];
	[sflag:s4] =	ssyncadd.s32 $0xFFFF3800  }
0x125: {  	[tilespmem:s2], [sflag:$0x1] =	stream.linear.gather [hbm4b:s0+s2], $0xC800, $0x38;
	[tilespmem:$0x19000] =	vst v63  }
0x126: {  	s3 =	rddreg [dreg:$0x6]  }
0x127: {  	[hbm4b:s3+s2] =	stream.linear.scatter [tilespmem:s11], [sflag:$0x4], $0xC800, $0x38;
	[tilespmem:$0x19000] =	vst v63  }
0x128: {  	_ =	swait.ge [sflag:s7], $0xC800  }
0x129: {  	[sflag:s7] =	ssyncset.done $0x0  }
0x12a: {  	[sflag:s7] =	ssyncadd.s32 $0xFFFF3800  }
0x12b: {  	_ =	swait.ge [sflag:s8], $0xC800  }
0x12c: {  	[sflag:s8] =	ssyncset.done $0x0  }
0x12d: {  	s0 =	rddreg [dreg:$0x7];
	[sflag:s8] =	ssyncadd.s32 $0xFFFF3800  }
0x12e: {  	[tilespmem:s11], [sflag:$0x2] =	stream.linear.gather [hbm4b:s0+s2], $0xC800, $0x38;
	[tilespmem:$0x19000] =	vst v63  }
0x12f: {  	s3 =	rddreg [dreg:$0x8]  }
0x130: {  	[hbm4b:s3+s2] =	stream.linear.scatter [tilespmem:s2], [sflag:$0x3], $0xC800, $0x38;
	[tilespmem:$0x19000] =	vst v63  }
0x131: {  	_ =	swait.ge [sflag:s14], $0xC800  }
0x132: {  	[sflag:s14] =	ssyncset.done $0x0  }
0x133: {  	[sflag:s14] =	ssyncadd.s32 $0xFFFF3800  }
0x134: {  	_ =	swait.ge [sflag:s4], $0xC800  }
0x135: {  	[sflag:s4] =	ssyncset.done $0x0  }
0x136: {  	s0 =	rddreg [dreg:$0x9];
	[sflag:s4] =	ssyncadd.s32 $0xFFFF3800  }
0x137: {  	[tilespmem:s2], [sflag:$0x1] =	stream.linear.gather [hbm4b:s0+s2], $0xC800, $0x38;
	[tilespmem:$0x19000] =	vst v63  }
0x138: {  	s3 =	rddreg [dreg:$0xa]  }
0x139: {  	[hbm4b:s3+s2] =	stream.linear.scatter [tilespmem:s11], [sflag:$0x4], $0xC800, $0x38;
	[tilespmem:$0x19000] =	vst v63  }
0x13a: {  	_ =	swait.ge [sflag:s7], $0xC800  }
0x13b: {  	[sflag:s7] =	ssyncset.done $0x0  }
0x13c: {  	[sflag:s7] =	ssyncadd.s32 $0xFFFF3800  }
0x13d: {  	_ =	swait.ge [sflag:s8], $0xC800  }
0x13e: {  	[sflag:s8] =	ssyncset.done $0x0  }
0x13f: {  	s0 =	rddreg [dreg:$0xb];
	[sflag:s8] =	ssyncadd.s32 $0xFFFF3800  }
0x140: {  	[tilespmem:s11], [sflag:$0x2] =	stream.linear.gather [hbm4b:s0+s2], $0xC800, $0x38;
	[tilespmem:$0x19000] =	vst v63  }
0x141: {  	s3 =	rddreg [dreg:$0xc]  }
0x142: {  	[hbm4b:s3+s2] =	stream.linear.scatter [tilespmem:s2], [sflag:$0x3], $0xC800, $0x38;
	[tilespmem:$0x19000] =	vst v63  }
0x143: {  	_ =	swait.ge [sflag:s14], $0xC800  }
0x144: {  	[sflag:s14] =	ssyncset.done $0x0  }
0x145: {  	[sflag:s14] =	ssyncadd.s32 $0xFFFF3800  }
0x146: {  	_ =	swait.ge [sflag:s4], $0xC800  }
0x147: {  	[sflag:s4] =	ssyncset.done $0x0  }
0x148: {  	s0 =	rddreg [dreg:$0xd];
	[sflag:s4] =	ssyncadd.s32 $0xFFFF3800  }
0x149: {  	[tilespmem:s2], [sflag:$0x1] =	stream.linear.gather [hbm4b:s0+s2], $0xC800, $0x38;
	[tilespmem:$0x19000] =	vst v63  }
0x14a: {  	s3 =	rddreg [dreg:$0xe]  }
0x14b: {  	[hbm4b:s3+s2] =	stream.linear.scatter [tilespmem:s11], [sflag:$0x4], $0xC800, $0x38;
	[tilespmem:$0x19000] =	vst v63  }
0x14c: {  	_ =	swait.ge [sflag:s7], $0xC800  }
0x14d: {  	[sflag:s7] =	ssyncset.done $0x0  }
0x14e: {  	[sflag:s7] =	ssyncadd.s32 $0xFFFF3800  }
0x14f: {  	_ =	swait.ge [sflag:s8], $0xC800  }
0x150: {  	[sflag:s8] =	ssyncset.done $0x0  }
0x151: {  	s0 =	rddreg [dreg:$0xf];
	[sflag:s8] =	ssyncadd.s32 $0xFFFF3800  }
0x152: {  	[tilespmem:s11], [sflag:$0x2] =	stream.linear.gather [hbm4b:s0+s2], $0xC800, $0x38;
	[tilespmem:$0x19000] =	vst v63  }
0x153: {  	s3 =	rddreg [dreg:$0x10]  }
0x154: {  	[hbm4b:s3+s2] =	stream.linear.scatter [tilespmem:s2], [sflag:$0x3], $0xC800, $0x38;
	[tilespmem:$0x19000] =	vst v63  }
0x155: {  	_ =	swait.ge [sflag:s14], $0xC800  }
0x156: {  	[sflag:s14] =	ssyncset.done $0x0  }
0x157: {  	[sflag:s14] =	ssyncadd.s32 $0xFFFF3800  }
0x158: {  	_ =	swait.ge [sflag:s4], $0xC800  }
0x159: {  	[sflag:s4] =	ssyncset.done $0x0  }
0x15a: {  	s0 =	rddreg [dreg:$0x11];
	[sflag:s4] =	ssyncadd.s32 $0xFFFF3800  }
0x15b: {  	[tilespmem:s2], [sflag:$0x1] =	stream.linear.gather [hbm4b:s0+s2], $0xC800, $0x38;
	[tilespmem:$0x19000] =	vst v63  }
0x15c: {  	s3 =	rddreg [dreg:$0x12]  }
0x15d: {  	[hbm4b:s3+s2] =	stream.linear.scatter [tilespmem:s11], [sflag:$0x4], $0xC800, $0x38;
	[tilespmem:$0x19000] =	vst v63  }
0x15e: {  	_ =	swait.ge [sflag:s7], $0xC800  }
0x15f: {  	[sflag:s7] =	ssyncset.done $0x0  }
0x160: {  	[sflag:s7] =	ssyncadd.s32 $0xFFFF3800  }
0x161: {  	_ =	swait.ge [sflag:s8], $0xC800  }
0x162: {  	[sflag:s8] =	ssyncset.done $0x0  }
0x163: {  	s0 =	rddreg [dreg:$0x13];
	[sflag:s8] =	ssyncadd.s32 $0xFFFF3800  }
0x164: {  	[tilespmem:s11], [sflag:$0x2] =	stream.linear.gather [hbm4b:s0+s2], $0xC800, $0x38;
	[tilespmem:$0x19000] =	vst v63  }
0x165: {  	s3 =	rddreg [dreg:$0x14]  }
0x166: {  	[hbm4b:s3+s2] =	stream.linear.scatter [tilespmem:s2], [sflag:$0x3], $0xC800, $0x38;
	[tilespmem:$0x19000] =	vst v63  }
0x167: {  	_ =	swait.ge [sflag:s14], $0xC800  }
0x168: {  	[sflag:s14] =	ssyncset.done $0x0  }
0x169: {  	[sflag:s14] =	ssyncadd.s32 $0xFFFF3800  }
0x16a: {  	_ =	swait.ge [sflag:s4], $0xC800  }
0x16b: {  	[sflag:s4] =	ssyncset.done $0x0  }
0x16c: {  	s0 =	rddreg [dreg:$0x15];
	[sflag:s4] =	ssyncadd.s32 $0xFFFF3800  }
0x16d: {  	[tilespmem:s2], [sflag:$0x1] =	stream.linear.gather [hbm4b:s0+s2], $0xC800, $0x38;
	[tilespmem:$0x19000] =	vst v63  }
0x16e: {  	s3 =	rddreg [dreg:$0x16]  }
0x16f: {  	[hbm4b:s3+s2] =	stream.linear.scatter [tilespmem:s11], [sflag:$0x4], $0xC800, $0x38;
	[tilespmem:$0x19000] =	vst v63  }
0x170: {  	_ =	swait.ge [sflag:s7], $0xC800  }
0x171: {  	[sflag:s7] =	ssyncset.done $0x0  }
0x172: {  	[sflag:s7] =	ssyncadd.s32 $0xFFFF3800  }
0x173: {  	_ =	swait.ge [sflag:s8], $0xC800  }
0x174: {  	[sflag:s8] =	ssyncset.done $0x0  }
0x175: {  	s0 =	rddreg [dreg:$0x17];
	[sflag:s8] =	ssyncadd.s32 $0xFFFF3800  }
0x176: {  	[tilespmem:s11], [sflag:$0x2] =	stream.linear.gather [hbm4b:s0+s2], $0xC800, $0x38;
	[tilespmem:$0x19000] =	vst v63  }
0x177: {  	s3 =	rddreg [dreg:$0x18]  }
0x178: {  	[hbm4b:s3+s2] =	stream.linear.scatter [tilespmem:s2], [sflag:$0x3], $0xC800, $0x38;
	[tilespmem:$0x19000] =	vst v63  }
0x179: {  	_ =	swait.ge [sflag:s14], $0xC800  }
0x17a: {  	[sflag:s14] =	ssyncset.done $0x0  }
0x17b: {  	[sflag:s14] =	ssyncadd.s32 $0xFFFF3800  }
0x17c: {  	_ =	swait.ge [sflag:s4], $0xC800  }
0x17d: {  	[sflag:s4] =	ssyncset.done $0x0  }
0x17e: {  	s0 =	rddreg [dreg:$0x19];
	[sflag:s4] =	ssyncadd.s32 $0xFFFF3800  }
0x17f: {  	[tilespmem:s2], [sflag:$0x1] =	stream.linear.gather [hbm4b:s0+s2], $0xC800, $0x38;
	[tilespmem:$0x19000] =	vst v63  }
0x180: {  	s3 =	rddreg [dreg:$0x1a]  }
0x181: {  	[hbm4b:s3+s2] =	stream.linear.scatter [tilespmem:s11], [sflag:$0x4], $0xC800, $0x38;
	[tilespmem:$0x19000] =	vst v63  }
0x182: {  	_ =	swait.ge [sflag:s7], $0xC800  }
0x183: {  	[sflag:s7] =	ssyncset.done $0x0  }
0x184: {  	[sflag:s7] =	ssyncadd.s32 $0xFFFF3800  }
0x185: {  	_ =	swait.ge [sflag:s8], $0xC800  }
0x186: {  	[sflag:s8] =	ssyncset.done $0x0  }
0x187: {  	s0 =	rddreg [dreg:$0x1b];
	[sflag:s8] =	ssyncadd.s32 $0xFFFF3800  }
0x188: {  	[tilespmem:s11], [sflag:$0x2] =	stream.linear.gather [hbm4b:s0+s2], $0xC800, $0x38;
	[tilespmem:$0x19000] =	vst v63  }
0x189: {  	s3 =	rddreg [dreg:$0x1c]  }
0x18a: {  	[hbm4b:s3+s2] =	stream.linear.scatter [tilespmem:s2], [sflag:$0x3], $0xC800, $0x38;
	[tilespmem:$0x19000] =	vst v63  }
0x18b: {  	s3 =	smov.u32 s5;
	s5 =	smov.u32 s6;
	s6 =	smov.u32 s9  }
0x18c: {  	s9 =	smov.u32 s10;
	s10 =	smov.u32 s12;
	s12 =	smov.u32 s13  }
0x18d: {  	s13 =	smov.u32 s15;
	s15 =	smov.u32 s16;
	s16 =	smov.u32 s17  }
0x18e: {  	s17 =	smov.u32 s18;
	s18 =	smov.u32 s19;
	s19 =	smov.u32 s20  }
0x18f: {  	s20 =	smov.u32 s21;
	s21 =	smov.u32 s22;
	s22 =	smov.u32 s23  }
0x190: {  	s23 =	smov.u32 s24;
	s24 =	smov.u32 s25;
	s25 =	smov.u32 s26  }
0x191: {  	s26 =	smov.u32 s28;
	s28 =	smov.u32 s29;
	s29 =	smov.u32 s30  }
0x192: {  	s30 =	smov.u32 s31;
	s31 =	rddreg [dreg:$0x1d];
	_ =	swait.ge [sflag:s14], $0xC800  }
0x193: {  	[sflag:s14] =	ssyncset.done $0x0  }
0x194: {  	[sflag:s14] =	ssyncadd.s32 $0xFFFF3800  }
0x195: {  	_ =	swait.ge [sflag:s4], $0xC800  }
0x196: {  	[sflag:s4] =	ssyncset.done $0x0  }
0x197: {  	[sflag:s4] =	ssyncadd.s32 $0xFFFF3800  }
0x198: {  	[tilespmem:s2], [sflag:$0x1] =	stream.linear.gather [hbm4b:s30+s2], $0xC800, $0x38;
	[tilespmem:$0x19000] =	vst v63  }
0x199: {  	_ = 	snop  }
0x19a: {  	[hbm4b:s31+s2] =	stream.linear.scatter [tilespmem:s11], [sflag:$0x4], $0xC800, $0x38;
	[tilespmem:$0x19000] =	vst v63  }
0x19b: {  	_ =	swait.ge [sflag:s7], $0xC800  }
0x19c: {  	[sflag:s7] =	ssyncset.done $0x0  }
0x19d: {  	[sflag:s7] =	ssyncadd.s32 $0xFFFF3800  }
0x19e: {  	_ =	swait.ge [sflag:s8], $0xC800  }
0x19f: {  	[sflag:s8] =	ssyncset.done $0x0  }
0x1a0: {  	[sflag:s8] =	ssyncadd.s32 $0xFFFF3800  }
0x1a1: {  	[tilespmem:s11], [sflag:$0x2] =	stream.linear.gather [hbm4b:s28+s2], $0xC800, $0x38;
	[tilespmem:$0x19000] =	vst v63  }
0x1a2: {  	_ = 	snop  }
0x1a3: {  	[hbm4b:s29+s2] =	stream.linear.scatter [tilespmem:s2], [sflag:$0x3], $0xC800, $0x38;
	[tilespmem:$0x19000] =	vst v63  }
0x1a4: {  	_ =	swait.ge [sflag:s14], $0xC800  }
0x1a5: {  	[sflag:s14] =	ssyncset.done $0x0  }
0x1a6: {  	[sflag:s14] =	ssyncadd.s32 $0xFFFF3800  }
0x1a7: {  	_ =	swait.ge [sflag:s4], $0xC800  }
0x1a8: {  	[sflag:s4] =	ssyncset.done $0x0  }
0x1a9: {  	[sflag:s4] =	ssyncadd.s32 $0xFFFF3800  }
0x1aa: {  	[tilespmem:s2], [sflag:$0x1] =	stream.linear.gather [hbm4b:s25+s2], $0xC800, $0x38;
	[tilespmem:$0x19000] =	vst v63  }
0x1ab: {  	_ = 	snop  }
0x1ac: {  	[hbm4b:s26+s2] =	stream.linear.scatter [tilespmem:s11], [sflag:$0x4], $0xC800, $0x38;
	[tilespmem:$0x19000] =	vst v63  }
0x1ad: {  	_ =	swait.ge [sflag:s7], $0xC800  }
0x1ae: {  	[sflag:s7] =	ssyncset.done $0x0  }
0x1af: {  	[sflag:s7] =	ssyncadd.s32 $0xFFFF3800  }
0x1b0: {  	_ =	swait.ge [sflag:s8], $0xC800  }
0x1b1: {  	[sflag:s8] =	ssyncset.done $0x0  }
0x1b2: {  	[sflag:s8] =	ssyncadd.s32 $0xFFFF3800  }
0x1b3: {  	[tilespmem:s11], [sflag:$0x2] =	stream.linear.gather [hbm4b:s23+s2], $0xC800, $0x38;
	[tilespmem:$0x19000] =	vst v63  }
0x1b4: {  	_ = 	snop  }
0x1b5: {  	[hbm4b:s24+s2] =	stream.linear.scatter [tilespmem:s2], [sflag:$0x3], $0xC800, $0x38;
	[tilespmem:$0x19000] =	vst v63  }
0x1b6: {  	_ =	swait.ge [sflag:s14], $0xC800  }
0x1b7: {  	[sflag:s14] =	ssyncset.done $0x0  }
0x1b8: {  	[sflag:s14] =	ssyncadd.s32 $0xFFFF3800  }
0x1b9: {  	_ =	swait.ge [sflag:s4], $0xC800  }
0x1ba: {  	[sflag:s4] =	ssyncset.done $0x0  }
0x1bb: {  	[sflag:s4] =	ssyncadd.s32 $0xFFFF3800  }
0x1bc: {  	[tilespmem:s2], [sflag:$0x1] =	stream.linear.gather [hbm4b:s21+s2], $0xC800, $0x38;
	[tilespmem:$0x19000] =	vst v63  }
0x1bd: {  	_ = 	snop  }
0x1be: {  	[hbm4b:s22+s2] =	stream.linear.scatter [tilespmem:s11], [sflag:$0x4], $0xC800, $0x38;
	[tilespmem:$0x19000] =	vst v63  }
0x1bf: {  	_ =	swait.ge [sflag:s7], $0xC800  }
0x1c0: {  	[sflag:s7] =	ssyncset.done $0x0  }
0x1c1: {  	[sflag:s7] =	ssyncadd.s32 $0xFFFF3800  }
0x1c2: {  	_ =	swait.ge [sflag:s8], $0xC800  }
0x1c3: {  	[sflag:s8] =	ssyncset.done $0x0  }
0x1c4: {  	[sflag:s8] =	ssyncadd.s32 $0xFFFF3800  }
0x1c5: {  	[tilespmem:s11], [sflag:$0x2] =	stream.linear.gather [hbm4b:s19+s2], $0xC800, $0x38;
	[tilespmem:$0x19000] =	vst v63  }
0x1c6: {  	_ = 	snop  }
0x1c7: {  	[hbm4b:s20+s2] =	stream.linear.scatter [tilespmem:s2], [sflag:$0x3], $0xC800, $0x38;
	[tilespmem:$0x19000] =	vst v63  }
0x1c8: {  	_ =	swait.ge [sflag:s14], $0xC800  }
0x1c9: {  	[sflag:s14] =	ssyncset.done $0x0  }
0x1ca: {  	[sflag:s14] =	ssyncadd.s32 $0xFFFF3800  }
0x1cb: {  	_ =	swait.ge [sflag:s4], $0xC800  }
0x1cc: {  	[sflag:s4] =	ssyncset.done $0x0  }
0x1cd: {  	[sflag:s4] =	ssyncadd.s32 $0xFFFF3800  }
0x1ce: {  	[tilespmem:s2], [sflag:$0x1] =	stream.linear.gather [hbm4b:s17+s2], $0xC800, $0x38;
	[tilespmem:$0x19000] =	vst v63  }
0x1cf: {  	_ = 	snop  }
0x1d0: {  	[hbm4b:s18+s2] =	stream.linear.scatter [tilespmem:s11], [sflag:$0x4], $0xC800, $0x38;
	[tilespmem:$0x19000] =	vst v63  }
0x1d1: {  	_ =	swait.ge [sflag:s7], $0xC800  }
0x1d2: {  	[sflag:s7] =	ssyncset.done $0x0  }
0x1d3: {  	[sflag:s7] =	ssyncadd.s32 $0xFFFF3800  }
0x1d4: {  	_ =	swait.ge [sflag:s8], $0xC800  }
0x1d5: {  	[sflag:s8] =	ssyncset.done $0x0  }
0x1d6: {  	[sflag:s8] =	ssyncadd.s32 $0xFFFF3800  }
0x1d7: {  	[tilespmem:s11], [sflag:$0x2] =	stream.linear.gather [hbm4b:s15+s2], $0xC800, $0x38;
	[tilespmem:$0x19000] =	vst v63  }
0x1d8: {  	_ = 	snop  }
0x1d9: {  	[hbm4b:s16+s2] =	stream.linear.scatter [tilespmem:s2], [sflag:$0x3], $0xC800, $0x38;
	[tilespmem:$0x19000] =	vst v63  }
0x1da: {  	_ =	swait.ge [sflag:s14], $0xC800  }
0x1db: {  	[sflag:s14] =	ssyncset.done $0x0  }
0x1dc: {  	[sflag:s14] =	ssyncadd.s32 $0xFFFF3800  }
0x1dd: {  	_ =	swait.ge [sflag:s4], $0xC800  }
0x1de: {  	[sflag:s4] =	ssyncset.done $0x0  }
0x1df: {  	[sflag:s4] =	ssyncadd.s32 $0xFFFF3800  }
0x1e0: {  	[tilespmem:s2], [sflag:$0x1] =	stream.linear.gather [hbm4b:s13+s2], $0xC800, $0x38;
	[tilespmem:$0x19000] =	vst v63  }
0x1e1: {  	_ = 	snop  }
0x1e2: {  	[hbm4b:s12+s2] =	stream.linear.scatter [tilespmem:s11], [sflag:$0x4], $0xC800, $0x38;
	[tilespmem:$0x19000] =	vst v63  }
0x1e3: {  	_ =	swait.ge [sflag:s7], $0xC800  }
0x1e4: {  	[sflag:s7] =	ssyncset.done $0x0  }
0x1e5: {  	[sflag:s7] =	ssyncadd.s32 $0xFFFF3800  }
0x1e6: {  	_ =	swait.ge [sflag:s8], $0xC800  }
0x1e7: {  	[sflag:s8] =	ssyncset.done $0x0  }
0x1e8: {  	[sflag:s8] =	ssyncadd.s32 $0xFFFF3800  }
0x1e9: {  	[tilespmem:s11], [sflag:$0x2] =	stream.linear.gather [hbm4b:s10+s2], $0xC800, $0x38;
	[tilespmem:$0x19000] =	vst v63  }
0x1ea: {  	_ = 	snop  }
0x1eb: {  	[hbm4b:s9+s2] =	stream.linear.scatter [tilespmem:s2], [sflag:$0x3], $0xC800, $0x38;
	[tilespmem:$0x19000] =	vst v63  }
0x1ec: {  	_ =	swait.ge [sflag:s14], $0xC800  }
0x1ed: {  	[sflag:s14] =	ssyncset.done $0x0  }
0x1ee: {  	[sflag:s14] =	ssyncadd.s32 $0xFFFF3800  }
0x1ef: {  	_ =	swait.ge [sflag:s4], $0xC800  }
0x1f0: {  	[sflag:s4] =	ssyncset.done $0x0  }
0x1f1: {  	[sflag:s4] =	ssyncadd.s32 $0xFFFF3800  }
0x1f2: {  	[tilespmem:s2], [sflag:$0x1] =	stream.linear.gather [hbm4b:s5+s2], $0xC800, $0x38;
	[tilespmem:$0x19000] =	vst v63  }
0x1f3: {  	_ = 	snop  }
0x1f4: {  	[hbm4b:s6+s2] =	stream.linear.scatter [tilespmem:s11], [sflag:$0x4], $0xC800, $0x38;
	[tilespmem:$0x19000] =	vst v63  }
0x1f5: {  	_ =	swait.ge [sflag:s7], $0xC800  }
0x1f6: {  	[sflag:s7] =	ssyncset.done $0x0  }
0x1f7: {  	p1 =	sne.s32 s1, $0x1;
	[sflag:s7] =	ssyncadd.s32 $0xFFFF3800  }
0x1f8: {  	[hbm4b:s3+s2] =	stream.linear.scatter [tilespmem:s2], [sflag:$0x3], $0xC800, $0x38;
	[tilespmem:$0x19000] =	vst v63  }
.Ltmp2:
0x1f9: {  	_ =	swait.ge [sflag:s8], $0xC800;
	(pc) =	sbr.rel @p1 .LBB2_2-.Ltmp2, $4  }
0x1fa: {  	[sflag:s8] =	ssyncset.done $0x0  }
0x1fb: {  	[sflag:s8] =	ssyncadd.s32 $0xFFFF3800  }
0x1fc: {  	_ =	swait.ge [sflag:s4], $0xC800  }
0x1fd: {  	s1 =	sadd.s32 $0xFFFFFFFF, s1;
	s0 =	rddreg [dreg:$0x2];
	[sflag:s4] =	ssyncset.done $0x0  }
.LBB2_3:
0x1fe: {  	[sflag:s4] =	ssyncadd.s32 @p0 $0xFFFF3800  }
0x1ff: {  	[tilespmem:s2], [sflag:$0x1] =	stream.linear.gather [hbm4b:s0+s2], $0xC800, $0x38;
	[tilespmem:$0x19000] =	vst v63  }
0x200: {  	_ =	swait.ge [sflag:s7], $0xC800  }
0x201: {  	[sflag:s7] =	ssyncset.done $0x0  }
0x202: {  	s0 =	rddreg [dreg:$0x3];
	[sflag:s7] =	ssyncadd.s32 $0xFFFF3800  }
0x203: {  	[tilespmem:s11], [sflag:$0x2] =	stream.linear.gather [hbm4b:s0+s2], $0xC800, $0x38;
	[tilespmem:$0x19000] =	vst v63  }
0x204: {  	s1 =	rddreg [dreg:$0x4]  }
0x205: {  	[hbm4b:s1+s2] =	stream.linear.scatter [tilespmem:s2], [sflag:$0x3], $0xC800, $0x38;
	[tilespmem:$0x19000] =	vst v63  }
0x206: {  	_ =	swait.ge [sflag:s14], $0xC800  }
0x207: {  	[sflag:s14] =	ssyncset.done $0x0  }
0x208: {  	[sflag:s14] =	ssyncadd.s32 $0xFFFF3800  }
0x209: {  	_ =	swait.ge [sflag:s4], $0xC800  }
0x20a: {  	[sflag:s4] =	ssyncset.done $0x0  }
0x20b: {  	s0 =	rddreg [dreg:$0x5];
	[sflag:s4] =	ssyncadd.s32 $0xFFFF3800  }
0x20c: {  	[tilespmem:s2], [sflag:$0x1] =	stream.linear.gather [hbm4b:s0+s2], $0xC800, $0x38;
	[tilespmem:$0x19000] =	vst v63  }
0x20d: {  	s1 =	rddreg [dreg:$0x6]  }
0x20e: {  	[hbm4b:s1+s2] =	stream.linear.scatter [tilespmem:s11], [sflag:$0x4], $0xC800, $0x38;
	[tilespmem:$0x19000] =	vst v63  }
0x20f: {  	_ =	swait.ge [sflag:s7], $0xC800  }
0x210: {  	[sflag:s7] =	ssyncset.done $0x0  }
0x211: {  	[sflag:s7] =	ssyncadd.s32 $0xFFFF3800  }
0x212: {  	_ =	swait.ge [sflag:s8], $0xC800  }
0x213: {  	[sflag:s8] =	ssyncset.done $0x0  }
0x214: {  	s0 =	rddreg [dreg:$0x7];
	[sflag:s8] =	ssyncadd.s32 $0xFFFF3800  }
0x215: {  	[tilespmem:s11], [sflag:$0x2] =	stream.linear.gather [hbm4b:s0+s2], $0xC800, $0x38;
	[tilespmem:$0x19000] =	vst v63  }
0x216: {  	s1 =	rddreg [dreg:$0x8]  }
0x217: {  	[hbm4b:s1+s2] =	stream.linear.scatter [tilespmem:s2], [sflag:$0x3], $0xC800, $0x38;
	[tilespmem:$0x19000] =	vst v63  }
0x218: {  	_ =	swait.ge [sflag:s14], $0xC800  }
0x219: {  	[sflag:s14] =	ssyncset.done $0x0  }
0x21a: {  	[sflag:s14] =	ssyncadd.s32 $0xFFFF3800  }
0x21b: {  	_ =	swait.ge [sflag:s4], $0xC800  }
0x21c: {  	[sflag:s4] =	ssyncset.done $0x0  }
0x21d: {  	s0 =	rddreg [dreg:$0x9];
	[sflag:s4] =	ssyncadd.s32 $0xFFFF3800  }
0x21e: {  	[tilespmem:s2], [sflag:$0x1] =	stream.linear.gather [hbm4b:s0+s2], $0xC800, $0x38;
	[tilespmem:$0x19000] =	vst v63  }
0x21f: {  	s1 =	rddreg [dreg:$0xa]  }
0x220: {  	[hbm4b:s1+s2] =	stream.linear.scatter [tilespmem:s11], [sflag:$0x4], $0xC800, $0x38;
	[tilespmem:$0x19000] =	vst v63  }
0x221: {  	_ =	swait.ge [sflag:s7], $0xC800  }
0x222: {  	[sflag:s7] =	ssyncset.done $0x0  }
0x223: {  	[sflag:s7] =	ssyncadd.s32 $0xFFFF3800  }
0x224: {  	_ =	swait.ge [sflag:s8], $0xC800  }
0x225: {  	[sflag:s8] =	ssyncset.done $0x0  }
0x226: {  	s0 =	rddreg [dreg:$0xb];
	[sflag:s8] =	ssyncadd.s32 $0xFFFF3800  }
0x227: {  	[tilespmem:s11], [sflag:$0x2] =	stream.linear.gather [hbm4b:s0+s2], $0xC800, $0x38;
	[tilespmem:$0x19000] =	vst v63  }
0x228: {  	s1 =	rddreg [dreg:$0xc]  }
0x229: {  	[hbm4b:s1+s2] =	stream.linear.scatter [tilespmem:s2], [sflag:$0x3], $0xC800, $0x38;
	[tilespmem:$0x19000] =	vst v63  }
0x22a: {  	_ =	swait.ge [sflag:s14], $0xC800  }
0x22b: {  	[sflag:s14] =	ssyncset.done $0x0  }
0x22c: {  	[sflag:s14] =	ssyncadd.s32 $0xFFFF3800  }
0x22d: {  	_ =	swait.ge [sflag:s4], $0xC800  }
0x22e: {  	[sflag:s4] =	ssyncset.done $0x0  }
0x22f: {  	s0 =	rddreg [dreg:$0xd];
	[sflag:s4] =	ssyncadd.s32 $0xFFFF3800  }
0x230: {  	[tilespmem:s2], [sflag:$0x1] =	stream.linear.gather [hbm4b:s0+s2], $0xC800, $0x38;
	[tilespmem:$0x19000] =	vst v63  }
0x231: {  	s1 =	rddreg [dreg:$0xe]  }
0x232: {  	[hbm4b:s1+s2] =	stream.linear.scatter [tilespmem:s11], [sflag:$0x4], $0xC800, $0x38;
	[tilespmem:$0x19000] =	vst v63  }
0x233: {  	_ =	swait.ge [sflag:s7], $0xC800  }
0x234: {  	[sflag:s7] =	ssyncset.done $0x0  }
0x235: {  	[sflag:s7] =	ssyncadd.s32 $0xFFFF3800  }
0x236: {  	_ =	swait.ge [sflag:s8], $0xC800  }
0x237: {  	[sflag:s8] =	ssyncset.done $0x0  }
0x238: {  	s0 =	rddreg [dreg:$0xf];
	[sflag:s8] =	ssyncadd.s32 $0xFFFF3800  }
0x239: {  	[tilespmem:s11], [sflag:$0x2] =	stream.linear.gather [hbm4b:s0+s2], $0xC800, $0x38;
	[tilespmem:$0x19000] =	vst v63  }
0x23a: {  	s1 =	rddreg [dreg:$0x10]  }
0x23b: {  	[hbm4b:s1+s2] =	stream.linear.scatter [tilespmem:s2], [sflag:$0x3], $0xC800, $0x38;
	[tilespmem:$0x19000] =	vst v63  }
0x23c: {  	_ =	swait.ge [sflag:s14], $0xC800  }
0x23d: {  	[sflag:s14] =	ssyncset.done $0x0  }
0x23e: {  	[sflag:s14] =	ssyncadd.s32 $0xFFFF3800  }
0x23f: {  	_ =	swait.ge [sflag:s4], $0xC800  }
0x240: {  	[sflag:s4] =	ssyncset.done $0x0  }
0x241: {  	s0 =	rddreg [dreg:$0x11];
	[sflag:s4] =	ssyncadd.s32 $0xFFFF3800  }
0x242: {  	[tilespmem:s2], [sflag:$0x1] =	stream.linear.gather [hbm4b:s0+s2], $0xC800, $0x38;
	[tilespmem:$0x19000] =	vst v63  }
0x243: {  	s1 =	rddreg [dreg:$0x12]  }
0x244: {  	[hbm4b:s1+s2] =	stream.linear.scatter [tilespmem:s11], [sflag:$0x4], $0xC800, $0x38;
	[tilespmem:$0x19000] =	vst v63  }
0x245: {  	_ =	swait.ge [sflag:s7], $0xC800  }
0x246: {  	[sflag:s7] =	ssyncset.done $0x0  }
0x247: {  	[sflag:s7] =	ssyncadd.s32 $0xFFFF3800  }
0x248: {  	_ =	swait.ge [sflag:s8], $0xC800  }
0x249: {  	[sflag:s8] =	ssyncset.done $0x0  }
0x24a: {  	s0 =	rddreg [dreg:$0x13];
	[sflag:s8] =	ssyncadd.s32 $0xFFFF3800  }
0x24b: {  	[tilespmem:s11], [sflag:$0x2] =	stream.linear.gather [hbm4b:s0+s2], $0xC800, $0x38;
	[tilespmem:$0x19000] =	vst v63  }
0x24c: {  	s1 =	rddreg [dreg:$0x14]  }
0x24d: {  	[hbm4b:s1+s2] =	stream.linear.scatter [tilespmem:s2], [sflag:$0x3], $0xC800, $0x38;
	[tilespmem:$0x19000] =	vst v63  }
0x24e: {  	_ =	swait.ge [sflag:s14], $0xC800  }
0x24f: {  	[sflag:s14] =	ssyncset.done $0x0  }
0x250: {  	[sflag:s14] =	ssyncadd.s32 $0xFFFF3800  }
0x251: {  	_ =	swait.ge [sflag:s4], $0xC800  }
0x252: {  	[sflag:s4] =	ssyncset.done $0x0  }
0x253: {  	s0 =	rddreg [dreg:$0x15];
	[sflag:s4] =	ssyncadd.s32 $0xFFFF3800  }
0x254: {  	[tilespmem:s2], [sflag:$0x1] =	stream.linear.gather [hbm4b:s0+s2], $0xC800, $0x38;
	[tilespmem:$0x19000] =	vst v63  }
0x255: {  	s1 =	rddreg [dreg:$0x16]  }
0x256: {  	[hbm4b:s1+s2] =	stream.linear.scatter [tilespmem:s11], [sflag:$0x4], $0xC800, $0x38;
	[tilespmem:$0x19000] =	vst v63  }
0x257: {  	_ =	swait.ge [sflag:s7], $0xC800  }
0x258: {  	[sflag:s7] =	ssyncset.done $0x0  }
0x259: {  	[sflag:s7] =	ssyncadd.s32 $0xFFFF3800  }
0x25a: {  	_ =	swait.ge [sflag:s8], $0xC800  }
0x25b: {  	[sflag:s8] =	ssyncset.done $0x0  }
0x25c: {  	s0 =	rddreg [dreg:$0x17];
	[sflag:s8] =	ssyncadd.s32 $0xFFFF3800  }
0x25d: {  	[tilespmem:s11], [sflag:$0x2] =	stream.linear.gather [hbm4b:s0+s2], $0xC800, $0x38;
	[tilespmem:$0x19000] =	vst v63  }
0x25e: {  	s1 =	rddreg [dreg:$0x18]  }
0x25f: {  	[hbm4b:s1+s2] =	stream.linear.scatter [tilespmem:s2], [sflag:$0x3], $0xC800, $0x38;
	[tilespmem:$0x19000] =	vst v63  }
0x260: {  	_ =	swait.ge [sflag:s14], $0xC800  }
0x261: {  	[sflag:s14] =	ssyncset.done $0x0  }
0x262: {  	[sflag:s14] =	ssyncadd.s32 $0xFFFF3800  }
0x263: {  	_ =	swait.ge [sflag:s4], $0xC800  }
0x264: {  	[sflag:s4] =	ssyncset.done $0x0  }
0x265: {  	s0 =	rddreg [dreg:$0x19];
	[sflag:s4] =	ssyncadd.s32 $0xFFFF3800  }
0x266: {  	[tilespmem:s2], [sflag:$0x1] =	stream.linear.gather [hbm4b:s0+s2], $0xC800, $0x38;
	[tilespmem:$0x19000] =	vst v63  }
0x267: {  	s1 =	rddreg [dreg:$0x1a]  }
0x268: {  	[hbm4b:s1+s2] =	stream.linear.scatter [tilespmem:s11], [sflag:$0x4], $0xC800, $0x38;
	[tilespmem:$0x19000] =	vst v63  }
0x269: {  	_ =	swait.ge [sflag:s7], $0xC800  }
0x26a: {  	[sflag:s7] =	ssyncset.done $0x0  }
0x26b: {  	[sflag:s7] =	ssyncadd.s32 $0xFFFF3800  }
0x26c: {  	_ =	swait.ge [sflag:s8], $0xC800  }
0x26d: {  	[sflag:s8] =	ssyncset.done $0x0  }
0x26e: {  	s0 =	rddreg [dreg:$0x1b];
	[sflag:s8] =	ssyncadd.s32 $0xFFFF3800  }
0x26f: {  	[tilespmem:s11], [sflag:$0x2] =	stream.linear.gather [hbm4b:s0+s2], $0xC800, $0x38;
	[tilespmem:$0x19000] =	vst v63  }
0x270: {  	s1 =	rddreg [dreg:$0x1c]  }
0x271: {  	[hbm4b:s1+s2] =	stream.linear.scatter [tilespmem:s2], [sflag:$0x3], $0xC800, $0x38;
	[tilespmem:$0x19000] =	vst v63  }
0x272: {  	_ =	swait.ge [sflag:s14], $0xC800  }
0x273: {  	[sflag:s14] =	ssyncset.done $0x0  }
0x274: {  	[sflag:s14] =	ssyncadd.s32 $0xFFFF3800  }
0x275: {  	_ =	swait.ge [sflag:s4], $0xC800  }
0x276: {  	[sflag:s4] =	ssyncset.done $0x0  }
0x277: {  	[sflag:s4] =	ssyncadd.s32 $0xFFFF3800  }
0x278: {  	[tilespmem:s2], [sflag:$0x1] =	stream.linear.gather [hbm4b:s30+s2], $0xC800, $0x38;
	[tilespmem:$0x19000] =	vst v63  }
0x279: {  	_ = 	snop  }
0x27a: {  	[hbm4b:s31+s2] =	stream.linear.scatter [tilespmem:s11], [sflag:$0x4], $0xC800, $0x38;
	[tilespmem:$0x19000] =	vst v63  }
0x27b: {  	_ =	swait.ge [sflag:s7], $0xC800  }
0x27c: {  	[sflag:s7] =	ssyncset.done $0x0  }
0x27d: {  	[sflag:s7] =	ssyncadd.s32 $0xFFFF3800  }
0x27e: {  	_ =	swait.ge [sflag:s8], $0xC800  }
0x27f: {  	[sflag:s8] =	ssyncset.done $0x0  }
0x280: {  	[sflag:s8] =	ssyncadd.s32 $0xFFFF3800  }
0x281: {  	[tilespmem:s11], [sflag:$0x2] =	stream.linear.gather [hbm4b:s28+s2], $0xC800, $0x38;
	[tilespmem:$0x19000] =	vst v63  }
0x282: {  	_ = 	snop  }
0x283: {  	[hbm4b:s29+s2] =	stream.linear.scatter [tilespmem:s2], [sflag:$0x3], $0xC800, $0x38;
	[tilespmem:$0x19000] =	vst v63  }
0x284: {  	_ =	swait.ge [sflag:s14], $0xC800  }
0x285: {  	[sflag:s14] =	ssyncset.done $0x0  }
0x286: {  	[sflag:s14] =	ssyncadd.s32 $0xFFFF3800  }
0x287: {  	_ =	swait.ge [sflag:s4], $0xC800  }
0x288: {  	[sflag:s4] =	ssyncset.done $0x0  }
0x289: {  	[sflag:s4] =	ssyncadd.s32 $0xFFFF3800  }
0x28a: {  	[tilespmem:s2], [sflag:$0x1] =	stream.linear.gather [hbm4b:s25+s2], $0xC800, $0x38;
	[tilespmem:$0x19000] =	vst v63  }
0x28b: {  	_ = 	snop  }
0x28c: {  	[hbm4b:s26+s2] =	stream.linear.scatter [tilespmem:s11], [sflag:$0x4], $0xC800, $0x38;
	[tilespmem:$0x19000] =	vst v63  }
0x28d: {  	_ =	swait.ge [sflag:s7], $0xC800  }
0x28e: {  	[sflag:s7] =	ssyncset.done $0x0  }
0x28f: {  	[sflag:s7] =	ssyncadd.s32 $0xFFFF3800  }
0x290: {  	_ =	swait.ge [sflag:s8], $0xC800  }
0x291: {  	[sflag:s8] =	ssyncset.done $0x0  }
0x292: {  	[sflag:s8] =	ssyncadd.s32 $0xFFFF3800  }
0x293: {  	[tilespmem:s11], [sflag:$0x2] =	stream.linear.gather [hbm4b:s23+s2], $0xC800, $0x38;
	[tilespmem:$0x19000] =	vst v63  }
0x294: {  	_ = 	snop  }
0x295: {  	[hbm4b:s24+s2] =	stream.linear.scatter [tilespmem:s2], [sflag:$0x3], $0xC800, $0x38;
	[tilespmem:$0x19000] =	vst v63  }
0x296: {  	_ =	swait.ge [sflag:s14], $0xC800  }
0x297: {  	[sflag:s14] =	ssyncset.done $0x0  }
0x298: {  	[sflag:s14] =	ssyncadd.s32 $0xFFFF3800  }
0x299: {  	_ =	swait.ge [sflag:s4], $0xC800  }
0x29a: {  	[sflag:s4] =	ssyncset.done $0x0  }
0x29b: {  	[sflag:s4] =	ssyncadd.s32 $0xFFFF3800  }
0x29c: {  	[tilespmem:s2], [sflag:$0x1] =	stream.linear.gather [hbm4b:s21+s2], $0xC800, $0x38;
	[tilespmem:$0x19000] =	vst v63  }
0x29d: {  	_ = 	snop  }
0x29e: {  	[hbm4b:s22+s2] =	stream.linear.scatter [tilespmem:s11], [sflag:$0x4], $0xC800, $0x38;
	[tilespmem:$0x19000] =	vst v63  }
0x29f: {  	_ =	swait.ge [sflag:s7], $0xC800  }
0x2a0: {  	[sflag:s7] =	ssyncset.done $0x0  }
0x2a1: {  	[sflag:s7] =	ssyncadd.s32 $0xFFFF3800  }
0x2a2: {  	_ =	swait.ge [sflag:s8], $0xC800  }
0x2a3: {  	[sflag:s8] =	ssyncset.done $0x0  }
0x2a4: {  	[sflag:s8] =	ssyncadd.s32 $0xFFFF3800  }
0x2a5: {  	[tilespmem:s11], [sflag:$0x2] =	stream.linear.gather [hbm4b:s19+s2], $0xC800, $0x38;
	[tilespmem:$0x19000] =	vst v63  }
0x2a6: {  	_ = 	snop  }
0x2a7: {  	[hbm4b:s20+s2] =	stream.linear.scatter [tilespmem:s2], [sflag:$0x3], $0xC800, $0x38;
	[tilespmem:$0x19000] =	vst v63  }
0x2a8: {  	_ =	swait.ge [sflag:s14], $0xC800  }
0x2a9: {  	[sflag:s14] =	ssyncset.done $0x0  }
0x2aa: {  	[sflag:s14] =	ssyncadd.s32 $0xFFFF3800  }
0x2ab: {  	_ =	swait.ge [sflag:s4], $0xC800  }
0x2ac: {  	[sflag:s4] =	ssyncset.done $0x0  }
0x2ad: {  	[sflag:s4] =	ssyncadd.s32 $0xFFFF3800  }
0x2ae: {  	[tilespmem:s2], [sflag:$0x1] =	stream.linear.gather [hbm4b:s17+s2], $0xC800, $0x38;
	[tilespmem:$0x19000] =	vst v63  }
0x2af: {  	_ = 	snop  }
0x2b0: {  	[hbm4b:s18+s2] =	stream.linear.scatter [tilespmem:s11], [sflag:$0x4], $0xC800, $0x38;
	[tilespmem:$0x19000] =	vst v63  }
0x2b1: {  	_ =	swait.ge [sflag:s7], $0xC800  }
0x2b2: {  	[sflag:s7] =	ssyncset.done $0x0  }
0x2b3: {  	[sflag:s7] =	ssyncadd.s32 $0xFFFF3800  }
0x2b4: {  	_ =	swait.ge [sflag:s8], $0xC800  }
0x2b5: {  	[sflag:s8] =	ssyncset.done $0x0  }
0x2b6: {  	[sflag:s8] =	ssyncadd.s32 $0xFFFF3800  }
0x2b7: {  	[tilespmem:s11], [sflag:$0x2] =	stream.linear.gather [hbm4b:s15+s2], $0xC800, $0x38;
	[tilespmem:$0x19000] =	vst v63  }
0x2b8: {  	_ = 	snop  }
0x2b9: {  	[hbm4b:s16+s2] =	stream.linear.scatter [tilespmem:s2], [sflag:$0x3], $0xC800, $0x38;
	[tilespmem:$0x19000] =	vst v63  }
0x2ba: {  	_ =	swait.ge [sflag:s14], $0xC800  }
0x2bb: {  	[sflag:s14] =	ssyncset.done $0x0  }
0x2bc: {  	[sflag:s14] =	ssyncadd.s32 $0xFFFF3800  }
0x2bd: {  	_ =	swait.ge [sflag:s4], $0xC800  }
0x2be: {  	[sflag:s4] =	ssyncset.done $0x0  }
0x2bf: {  	[sflag:s4] =	ssyncadd.s32 $0xFFFF3800  }
0x2c0: {  	[tilespmem:s2], [sflag:$0x1] =	stream.linear.gather [hbm4b:s13+s2], $0xC800, $0x38;
	[tilespmem:$0x19000] =	vst v63  }
0x2c1: {  	_ = 	snop  }
0x2c2: {  	[hbm4b:s12+s2] =	stream.linear.scatter [tilespmem:s11], [sflag:$0x4], $0xC800, $0x38;
	[tilespmem:$0x19000] =	vst v63  }
0x2c3: {  	_ =	swait.ge [sflag:s7], $0xC800  }
0x2c4: {  	[sflag:s7] =	ssyncset.done $0x0  }
0x2c5: {  	[sflag:s7] =	ssyncadd.s32 $0xFFFF3800  }
0x2c6: {  	_ =	swait.ge [sflag:s8], $0xC800  }
0x2c7: {  	[sflag:s8] =	ssyncset.done $0x0  }
0x2c8: {  	[sflag:s8] =	ssyncadd.s32 $0xFFFF3800  }
0x2c9: {  	[tilespmem:s11], [sflag:$0x2] =	stream.linear.gather [hbm4b:s10+s2], $0xC800, $0x38;
	[tilespmem:$0x19000] =	vst v63  }
0x2ca: {  	_ = 	snop  }
0x2cb: {  	[hbm4b:s9+s2] =	stream.linear.scatter [tilespmem:s2], [sflag:$0x3], $0xC800, $0x38;
	[tilespmem:$0x19000] =	vst v63  }
0x2cc: {  	_ =	swait.ge [sflag:s14], $0xC800  }
0x2cd: {  	[sflag:s14] =	ssyncset.done $0x0  }
0x2ce: {  	[sflag:s14] =	ssyncadd.s32 $0xFFFF3800  }
0x2cf: {  	_ =	swait.ge [sflag:s4], $0xC800  }
0x2d0: {  	[sflag:s4] =	ssyncset.done $0x0  }
0x2d1: {  	[sflag:s4] =	ssyncadd.s32 $0xFFFF3800  }
0x2d2: {  	[tilespmem:s2], [sflag:$0x1] =	stream.linear.gather [hbm4b:s5+s2], $0xC800, $0x38;
	[tilespmem:$0x19000] =	vst v63  }
0x2d3: {  	_ = 	snop  }
0x2d4: {  	[hbm4b:s6+s2] =	stream.linear.scatter [tilespmem:s11], [sflag:$0x4], $0xC800, $0x38;
	[tilespmem:$0x19000] =	vst v63  }
0x2d5: {  	_ =	swait.ge [sflag:s7], $0xC800  }
0x2d6: {  	[sflag:s7] =	ssyncset.done $0x0  }
0x2d7: {  	[sflag:s7] =	ssyncadd.s32 $0xFFFF3800  }
0x2d8: {  	[hbm4b:s3+s2] =	stream.linear.scatter [tilespmem:s2], [sflag:$0x3], $0xC800, $0x38;
	[tilespmem:$0x19000] =	vst v63  }
0x2d9: {  	_ =	swait.ge [sflag:s8], $0xC800  }
0x2da: {  	[sflag:s8] =	ssyncset.done $0x0  }
0x2db: {  	[sflag:s8] =	ssyncadd.s32 $0xFFFF3800  }
0x2dc: {  	_ =	swait.ge [sflag:s4], $0xC800  }
0x2dd: {  	[sflag:s4] =	ssyncset.done $0x0  }
0x2de: {  	[sflag:s4] =	ssyncadd.s32 $0xFFFF3800  }
0x2df: {  	_ =	sfence.sel $0x180000  }
0x2e0: {  	[bflag:$0x0] =	sbarrier.arrive $0xFFFF  }
0x2e1: {  	_ =	strace $0x90000047  }
0x2e2: {  	s31 =	stileid.u32;
	[bflag:$0x2] =	sbarrier.arrive $0xFFFF  }
0x2e3: {  	p0 =	sne.s32 s31, $0x0;
	s0 =	rddreg [dreg:$0x1]  }
0x2e4: {  	s0 =	sadd.s32 @!p0 $0x100000, s0  }
0x2e5: {  	[sflag:s0] =	ssyncadd.tile.s32 @!p0 $0x1;
	_ =	shalt  }
.Lfunc_end2:
_tile_overlayer_lowered:
.L_overlay_start_2:
0x2e6: {  	(tag) =	ssettag $0x2  }
0x2e7: {  	s0 =	rddreg [dreg:$0x0];
	s2 =	stileid.u32  }
0x2e8: {  	s1 =	rddreg [dreg:$0x1];
	p0 =	sne.s32 s2, $0x0  }
0x2e9: {  	s3 =	rddreg [dreg:$0x2];
	[bflag:$0x3] =	sbarrier.arrive $0xFFFF;
	s2 =	simm.s32 @!p0 $0x1C05  }
0x2ea: {  	[timem:s3], [sflag:s2] =	dma.local @!p0 [hbm:s0], s1  }
0x2eb: {  	s0 =	simm.s32 @!p0 $0x5  }
0x2ec: {  	_ =	swait.ge @!p0 [sflag:s0], s1  }
0x2ed: {  	s1 =	ssub.s32 @!p0 $0x0, s1;
	[sflag:s0] =	ssyncset.done @!p0 $0x0  }
0x2ee: {  	[sflag:s0] =	ssyncadd.s32 @!p0 s1  }
0x2ef: {  	[bflag:$0x3] =	sbarrier.arrive $0xFFFF  }
0x2f0: {  	_ =	shalt  }

</sc_bundles>
